<compile_context>
chip_gen: v7x
topology: tpu7x:2x2x1
jax: 0.10.2.dev20260603
libtpu: 0.0.44.dev20260713+nightly
codegen_flags: <defaults>
</compile_context>

<pallas_src>
import functools

import jax
import jax.numpy as jnp
from jax.experimental import pallas as pl

_HID = 64
_EPS = 1e-10


def _edge_topk_body(es_ref, g_ref, idx_ref, *, n, k):
    es = es_ref[0]
    g = g_ref[0]
    li = jax.lax.broadcasted_iota(jnp.int32, (n, n), 1)
    si = jax.lax.broadcasted_iota(jnp.int32, (n, n), 0)
    vals = jnp.where(li == si, -jnp.inf, g - es)
    for t in range(k):
        m = jnp.max(vals, axis=1, keepdims=True)
        cand = jnp.where(vals == m, li, n)
        j = jnp.min(cand, axis=1, keepdims=True)
        idx_ref[0, :, t : t + 1] = j
        vals = jnp.where(li == j, -jnp.inf, vals)


def _edge_topk(es, g, k):
    b, n, _ = es.shape
    return pl.pallas_call(
        functools.partial(_edge_topk_body, n=n, k=k),
        grid=(b,),
        in_specs=[
            pl.BlockSpec((1, n, n), lambda i: (i, 0, 0)),
            pl.BlockSpec((1, n, n), lambda i: (i, 0, 0)),
        ],
        out_specs=pl.BlockSpec((1, n, k), lambda i: (i, 0, 0)),
        out_shape=jax.ShapeDtypeStruct((b, n, k), jnp.int32),
    )(es, g)


def _node_order_body(vc_ref, vr_ref, idx_ref, *, n, m):
    vc = vc_ref[0]
    vr = vr_ref[0]
    si = jax.lax.broadcasted_iota(jnp.int32, (n, n), 0)
    li = jax.lax.broadcasted_iota(jnp.int32, (n, n), 1)
    beats = (vc > vr) | ((vc == vr) & (si < li))
    rank = jnp.sum(beats.astype(jnp.int32), axis=0, keepdims=True)
    ri = jax.lax.broadcasted_iota(jnp.int32, (m, n), 0)
    li2 = jax.lax.broadcasted_iota(jnp.int32, (m, n), 1)
    idx = jnp.sum(jnp.where(rank == ri, li2, 0), axis=1, keepdims=True)
    idx_ref[0] = idx


def _node_order(v, m):
    b, n = v.shape
    vc = v.reshape(b, n, 1)
    vr = v.reshape(b, 1, n)
    return pl.pallas_call(
        functools.partial(_node_order_body, n=n, m=m),
        grid=(b,),
        in_specs=[
            pl.BlockSpec((1, n, 1), lambda i: (i, 0, 0)),
            pl.BlockSpec((1, 1, n), lambda i: (i, 0, 0)),
        ],
        out_specs=pl.BlockSpec((1, m, 1), lambda i: (i, 0, 0)),
        out_shape=jax.ShapeDtypeStruct((b, m, 1), jnp.int32),
    )(vc, vr)


def _dotT(a, w, prec):
    return jax.lax.dot_general(
        a, w, (((1,), (1,)), ((), ())),
        precision=prec, preferred_element_type=jnp.float32)


def _stat(xT, T):
    mu = jnp.mean(xT, axis=1, keepdims=True)
    var = jnp.sum((xT - mu) ** 2, axis=1, keepdims=True) * (1.0 / (T - 1))
    return mu, 1.0 / (jnp.sqrt(var) + _EPS)


def _gcn_body(xT_ref, xsT_ref, fc1w_ref, fc1b_ref, fc2w_ref, fc2b_ref,
              w0_ref, b0_ref, w1_ref, b1_ref, w2_ref, b2_ref,
              idx0_ref, idx1_ref, idx2_ref, n1_ref, n2_ref, out_ref,
              *, n0, T):
    f32 = jnp.float32
    hi = jax.lax.Precision.HIGHEST
    xT = xT_ref[0]
    xsT = xsT_ref[0]

    x1, x2 = _stat(xT, T)
    x3, x4 = _stat(xsT, T)
    h = jnp.concatenate([x1, x2, x3, x4], axis=1)
    mu = jnp.mean(h, axis=0, keepdims=True)
    sd = jnp.sqrt(jnp.sum((h - mu) ** 2, axis=0, keepdims=True)
                  * (1.0 / (n0 - 1)))
    h = (h - mu) / (sd + _EPS)

    h = _dotT(h, fc1w_ref[...], hi) + fc1b_ref[...]

    def gcn(h, idx, w, b, n, k):
        hw = _dotT(h, w, hi)
        li = jax.lax.broadcasted_iota(jnp.int32, (n, n), 1)
        m = jnp.zeros((n, n), f32)
        for t in range(k):
            m = m + (idx[:, t : t + 1] == li).astype(f32)
        agg = (jnp.dot(m, hw, precision=hi,
                       preferred_element_type=f32) + hw) * (1.0 / (k + 1)) + b
        return jnp.where(agg >= 0, agg, 0.01 * agg)

    def gather_rows(h, nidx, m, n):
        li = jax.lax.broadcasted_iota(jnp.int32, (m, n), 1)
        p = (nidx == li).astype(f32)
        return jnp.dot(p, h, precision=hi, preferred_element_type=f32)

    h = gcn(h, idx0_ref[0], w0_ref[...], b0_ref[...], n0, 8)
    h = gather_rows(h, n1_ref[0], n0 // 2, n0)
    h = gcn(h, idx1_ref[0], w1_ref[...], b1_ref[...], n0 // 2, 4)
    h = gather_rows(h, n2_ref[0], n0 // 4, n0 // 2)
    h = gcn(h, idx2_ref[0], w2_ref[...], b2_ref[...], n0 // 4, 2)

    hh = _dotT(h, fc2w_ref[...], hi) + fc2b_ref[...]
    gram = jax.lax.dot_general(hh, hh, (((1,), (1,)), ((), ())),
                               precision=hi, preferred_element_type=f32)
    out_ref[0] = jax.nn.sigmoid(gram)


def _gcn_run(xT, xsT, fc1_w, fc1_b, fc2_w, fc2_b, gws, gbs,
             idx0, idx1, idx2, n1, n2):
    b, n0, T = xT.shape
    nf = n0 // 4
    full = lambda *shape: pl.BlockSpec(shape, lambda i: tuple(0 for _ in shape))
    bat = lambda *shape: pl.BlockSpec((1,) + shape,
                                      lambda i: (i,) + tuple(0 for _ in shape))
    args = (
        xT, xsT,
        fc1_w, fc1_b.reshape(1, _HID),
        jnp.zeros((128, _HID), jnp.float32).at[0].set(fc2_w[0]),
        jnp.zeros((1, 128), jnp.float32).at[0, 0].set(fc2_b[0]),
        gws[0], gbs[0].reshape(1, _HID),
        gws[1], gbs[1].reshape(1, _HID),
        gws[2], gbs[2].reshape(1, _HID),
        idx0, idx1, idx2, n1, n2,
    )
    in_specs = [
        bat(n0, T), bat(n0, T),
        full(_HID, 4), full(1, _HID), full(128, _HID), full(1, 128),
        full(_HID, _HID), full(1, _HID),
        full(_HID, _HID), full(1, _HID),
        full(_HID, _HID), full(1, _HID),
        bat(n0, 8), bat(n0 // 2, 4), bat(nf, 2),
        bat(n0 // 2, 1), bat(nf, 1),
    ]
    return pl.pallas_call(
        functools.partial(_gcn_body, n0=n0, T=T),
        grid=(b,),
        in_specs=in_specs,
        out_specs=pl.BlockSpec((1, nf, nf), lambda i: (i, 0, 0)),
        out_shape=jax.ShapeDtypeStruct((b, nf, nf), jnp.float32),
    )(*args)


def kernel(x, edge_score, node_score, fc1_w, fc1_b, fc2_w, fc2_b,
           g0_w, g0_b, g1_w, g1_b, g2_w, g2_b):
    b, T, n0 = x.shape

    key = jax.random.key(42)
    key, k1 = jax.random.split(key)
    ge0 = jax.random.gumbel(k1, (b, n0, n0), jnp.float32)
    key, k2 = jax.random.split(key)
    gn0 = jax.random.gumbel(k2, (b, n0), jnp.float32)
    key, k1 = jax.random.split(key)
    ge1 = jax.random.gumbel(k1, (b, n0 // 2, n0 // 2), jnp.float32)
    key, k2 = jax.random.split(key)
    gn1 = jax.random.gumbel(k2, (b, n0 // 2), jnp.float32)
    key, k1 = jax.random.split(key)
    ge2 = jax.random.gumbel(k1, (b, n0 // 4, n0 // 4), jnp.float32)

    vn0 = jax.nn.log_softmax(-node_score, axis=-1) + gn0
    n1 = _node_order(vn0, n0 // 2)
    n1f = n1[..., 0]
    ns1 = jnp.take_along_axis(node_score, n1f, axis=1)
    es1 = jnp.take_along_axis(edge_score, n1f[:, :, None], axis=1)
    es1 = jnp.take_along_axis(es1, n1f[:, None, :], axis=2)
    vn1 = jax.nn.log_softmax(-ns1, axis=-1) + gn1
    n2 = _node_order(vn1, n0 // 4)
    n2f = n2[..., 0]
    es2 = jnp.take_along_axis(es1, n2f[:, :, None], axis=1)
    es2 = jnp.take_along_axis(es2, n2f[:, None, :], axis=2)
    selected = jnp.take_along_axis(n1f, n2f, axis=1)

    idx0 = _edge_topk(edge_score, ge0, 8)
    idx1 = _edge_topk(es1, ge1, 4)
    idx2 = _edge_topk(es2, ge2, 2)

    xs = jnp.argsort(jnp.argsort(x, axis=-1), axis=-1).astype(x.dtype)
    xT = jnp.swapaxes(x, 1, 2)
    xsT = jnp.swapaxes(xs, 1, 2)

    out = _gcn_run(xT, xsT, fc1_w, fc1_b, fc2_w, fc2_b,
                   [g0_w, g1_w, g2_w], [g0_b, g1_b, g2_b],
                   idx0, idx1, idx2, n1, n2)
    return out, selected

# --- scband reference (transcript-rebuilt; emitter-appended) ---
"""Pipeline reference for scband-weight-assigner-89893665505494 (READ-ONLY COPY).

The authoritative reference and input builder live on the scoring server;
editing this copy changes nothing except your own understanding.
"""

import jax, jax.numpy as jnp
import numpy as np

NUM_LAYER = 3
NUM_EDGE = 8
DS_NODE = 2
DS_EDGE = 2
HIDDEN = 64


def setup_inputs(seed: int = 0) -> dict:
    key = jax.random.key(seed)
    ks = jax.random.split(key, 16)
    b, T, n = 8, 256, 1024
    inp = {}
    inp['x'] = jax.random.normal(ks[0], (b, T, n), dtype=jnp.float32)
    inp['edge_score'] = jax.random.normal(ks[1], (b, n, n), dtype=jnp.float32)
    inp['node_score'] = jax.random.normal(ks[2], (b, n), dtype=jnp.float32)
    inp['fc1_w'] = jax.random.normal(ks[3], (HIDDEN, 4), dtype=jnp.float32) * (1.0 / np.sqrt(4))
    inp['fc1_b'] = jnp.zeros((HIDDEN,), dtype=jnp.float32)
    inp['fc2_w'] = jax.random.normal(ks[4], (1, HIDDEN), dtype=jnp.float32) * (1.0 / np.sqrt(HIDDEN))
    inp['fc2_b'] = jnp.zeros((1,), dtype=jnp.float32)
    for i in range(NUM_LAYER):
        inp['g%d_w' % i] = jax.random.normal(ks[5 + i], (HIDDEN, HIDDEN), dtype=jnp.float32) * (1.0 / np.sqrt(HIDDEN))
        inp['g%d_b' % i] = jnp.zeros((HIDDEN,), dtype=jnp.float32)
    return inp


def _forward(x, edge_score, node_score, fc1_w, fc1_b, fc2_w, fc2_b, gws, gbs):
    key = jax.random.key(42)
    b, T, n0 = x.shape
    # ---- build_graphs (torch.multinomial without replacement -> Gumbel top-k) ----
    es, ns = edge_score, node_score
    n, k = n0, NUM_EDGE
    edges = []
    selected_nodes = jnp.tile(jnp.arange(n0)[None, :], (b, 1))
    sel_iter = [None]
    for s in range(NUM_LAYER):
        eye = jnp.eye(n, dtype=bool)
        logits = jnp.where(eye[None, :, :], -jnp.inf, -es)
        edge_logp = jax.nn.log_softmax(logits, axis=-1)
        key, k1 = jax.random.split(key)
        g = jax.random.gumbel(k1, (b, n, n), dtype=jnp.float32)
        _, idx = jax.lax.top_k(edge_logp + g, k)  # (b, n, k) sampled heads
        head = idx.reshape(b, n * k)
        tail = jnp.tile(jnp.repeat(jnp.arange(n), k)[None, :], (b, 1))
        off = (jnp.arange(b) * n)[:, None]
        edges.append(((head + off).reshape(-1), (tail + off).reshape(-1), b * n))
        k = k // DS_EDGE
        if s < NUM_LAYER - 1:
            node_logp = jax.nn.log_softmax(-ns, axis=-1)
            key, k2 = jax.random.split(key)
            g2 = jax.random.gumbel(k2, (b, n), dtype=jnp.float32)
            n_new = n // DS_NODE
            _, nidx = jax.lax.top_k(node_logp + g2, n_new)
            selected_nodes = jnp.take_along_axis(selected_nodes, nidx, axis=1)
            sel_iter.append(nidx)
            es = jnp.take_along_axis(es, nidx[:, :, None], axis=1)
            es = jnp.take_along_axis(es, nidx[:, None, :], axis=2)
            ns = jnp.take_along_axis(ns, nidx, axis=1)
            n = n_new
    # ---- get_stat_feat ----
    eps = 1e-10
    x1 = x.mean(1)
    x2 = 1.0 / (x.std(1, ddof=1) + eps)
    xs = jnp.argsort(jnp.argsort(x, axis=-1), axis=-1).astype(x.dtype)
    x3 = xs.mean(1)
    x4 = 1.0 / (xs.std(1, ddof=1) + eps)
    h = jnp.stack([x1, x2, x3, x4], axis=-1)  # (b, n0, 4)
    h = (h - h.mean(1, keepdims=True)) / (h.std(1, ddof=1, keepdims=True) + eps)
    # ---- fc1 ----
    h = h @ fc1_w.T + fc1_b  # (b, n0, HIDDEN)
    # ---- GCN layers (PyG GCNConv: self-loops + symmetric normalization) ----
    for i in range(NUM_LAYER):
        if i > 0:
            h = jnp.take_along_axis(h, sel_iter[i][:, :, None], axis=1)
        src, dst, N = edges[i]
        hf = h.reshape(-1, HIDDEN)
        hw = hf @ gws[i].T
        src2 = jnp.concatenate([src, jnp.arange(N)])
        dst2 = jnp.concatenate([dst, jnp.arange(N)])
        deg = jnp.zeros((N,), hw.dtype).at[dst2].add(1.0)
        dinv = jnp.where(deg > 0, 1.0 / jnp.sqrt(deg), 0.0)
        norm = dinv[src2] * dinv[dst2]
        agg = jnp.zeros_like(hw).at[dst2].add(norm[:, None] * hw[src2]) + gbs[i]
        h = agg.reshape(b, -1, HIDDEN)
        h = jax.nn.leaky_relu(h, 0.01)  # dropout: identity in eval
    h = h @ fc2_w.T + fc2_b  # (b, n_final, 1)
    out = jax.nn.sigmoid(h @ jnp.swapaxes(h, 1, 2))
    return out, selected_nodes


def reference(x, edge_score, node_score, fc1_w, fc1_b, fc2_w, fc2_b, g0_w, g0_b, g1_w, g1_b, g2_w, g2_b):
    return _forward(x, edge_score, node_score, fc1_w, fc1_b, fc2_w, fc2_b,
                    [g0_w, g1_w, g2_w], [g0_b, g1_b, g2_b])

if __name__ == "__main__":
    import jax
    _d = setup_inputs()
    print(jax.jit(kernel)(*tuple(_d.values())))

</pallas_src>

<mosaic_0001>
module attributes {stable_mosaic.version = 14 : i64} {
  func.func @_node_order_body(%arg0: i32, %arg1: memref<1x1024x1xf32, #tpu.memory_space<vmem>>, %arg2: memref<1x1x1024xf32, #tpu.memory_space<vmem>>, %arg3: memref<1x512x1xi32, #tpu.memory_space<vmem>>) attributes {dimension_semantics = [#tpu.dimension_semantics<arbitrary>], iteration_bounds = array<i64: 8>, scalar_prefetch = 0 : i64, scratch_operands = 0 : i64, tpu.core_type = #tpu.core_type<tc>, window_params = [{transform_indices = @transform_0, window_bounds = array<i64: 1, 1024, 1>}, {transform_indices = @transform_1, window_bounds = array<i64: 1, 1, 1024>}, {transform_indices = @transform_2, window_bounds = array<i64: 1, 512, 1>}]} {
    %get3A = arith.constant 0 : index
    %get3A_0 = arith.constant 0 : index
    %get3A_1 = arith.constant 0 : index
    %get3A_2 = vector.load %arg1[%get3A, %get3A_0, %get3A_1] : memref<1x1024x1xf32, #tpu.memory_space<vmem>>, vector<1x1024x1xf32>
    %get3A_3 = vector.shape_cast %get3A_2 : vector<1x1024x1xf32> to vector<1024x1xf32>
    %get3A_4 = arith.constant 0 : index
    %get3A_5 = arith.constant 0 : index
    %get3A_6 = arith.constant 0 : index
    %get3A_7 = vector.load %arg2[%get3A_4, %get3A_5, %get3A_6] : memref<1x1x1024xf32, #tpu.memory_space<vmem>>, vector<1x1x1024xf32>
    %get3A_8 = vector.shape_cast %get3A_7 : vector<1x1x1024xf32> to vector<1x1024xf32>
    %iota3A = tpu.iota {dimensions = array<i32: 0>} : vector<1024x1024xi32>
    %iota3A_9 = tpu.iota {dimensions = array<i32: 1>} : vector<1024x1024xi32>
    %gt3A = vector.broadcast %get3A_3 : vector<1024x1xf32> to vector<1024x1024xf32>
    %gt3A_10 = vector.broadcast %get3A_8 : vector<1x1024xf32> to vector<1024x1024xf32>
    %gt3A_11 = arith.cmpf ogt, %gt3A, %gt3A_10 : vector<1024x1024xf32>
    %eq3A = vector.broadcast %get3A_3 : vector<1024x1xf32> to vector<1024x1024xf32>
    %eq3A_12 = vector.broadcast %get3A_8 : vector<1x1024xf32> to vector<1024x1024xf32>
    %eq3A_13 = arith.cmpf oeq, %eq3A, %eq3A_12 : vector<1024x1024xf32>
    %lt3A = arith.cmpi slt, %iota3A, %iota3A_9 : vector<1024x1024xi32>
    %and3A = arith.andi %eq3A_13, %lt3A : vector<1024x1024xi1>
    %or3A = arith.ori %gt3A_11, %and3A : vector<1024x1024xi1>
    %convert_element_type3A = arith.extui %or3A : vector<1024x1024xi1> to vector<1024x1024xi32>
    %reduce_sum3A = arith.constant dense<0> : vector<1024xi32>
    %reduce_sum3A_14 = vector.multi_reduction <add>, %convert_element_type3A, %reduce_sum3A [0] : vector<1024x1024xi32> to vector<1024xi32>
    %broadcast_in_dim3A = vector.shape_cast %reduce_sum3A_14 : vector<1024xi32> to vector<1x1024xi32>
    %iota3A_15 = tpu.iota {dimensions = array<i32: 0>} : vector<512x1024xi32>
    %iota3A_16 = tpu.iota {dimensions = array<i32: 1>} : vector<512x1024xi32>
    %eq3A_17 = vector.broadcast %broadcast_in_dim3A : vector<1x1024xi32> to vector<512x1024xi32>
    %eq3A_18 = arith.cmpi eq, %eq3A_17, %iota3A_15 : vector<512x1024xi32>
    %jit3A = arith.constant 0 : i32
    %broadcast_in_dim3A_19 = vector.broadcast %jit3A : i32 to vector<512x1024xi32>
    %select_n3A = arith.select %eq3A_18, %iota3A_16, %broadcast_in_dim3A_19 : vector<512x1024xi1>, vector<512x1024xi32>
    %reduce_sum3A_20 = arith.constant dense<0> : vector<512xi32>
    %reduce_sum3A_21 = vector.multi_reduction <add>, %select_n3A, %reduce_sum3A_20 [1] : vector<512x1024xi32> to vector<512xi32>
    %broadcast_in_dim3A_22 = vector.shape_cast %reduce_sum3A_21 : vector<512xi32> to vector<512x1xi32>
    %swap3A = arith.constant 0 : index
    %swap3A_23 = arith.constant 0 : index
    %swap3A_24 = arith.constant 0 : index
    %swap3A_25 = vector.load %arg3[%swap3A, %swap3A_23, %swap3A_24] : memref<1x512x1xi32, #tpu.memory_space<vmem>>, vector<1x512x1xi32>
    %swap3A_26 = vector.shape_cast %swap3A_25 : vector<1x512x1xi32> to vector<512x1xi32>
    %swap3A_27 = vector.shape_cast %broadcast_in_dim3A_22 : vector<512x1xi32> to vector<1x512x1xi32>
    tpu.vector_store %arg3[%swap3A, %swap3A_23, %swap3A_24], %swap3A_27 {strides = array<i32>} : memref<1x512x1xi32, #tpu.memory_space<vmem>>, vector<1x512x1xi32>,
    return
  }
  func.func @transform_0(%arg0: i32) -> (i32, i32, i32) {
    %c0_i32 = arith.constant 0 : i32
    %c0_i32_0 = arith.constant 0 : i32
    %c0_i32_1 = arith.constant 0 : i32
    return %arg0, %c0_i32, %c0_i32_0 : i32, i32, i32
  }
  func.func @transform_1(%arg0: i32) -> (i32, i32, i32) {
    %c0_i32 = arith.constant 0 : i32
    %c0_i32_0 = arith.constant 0 : i32
    %c0_i32_1 = arith.constant 0 : i32
    return %arg0, %c0_i32, %c0_i32_0 : i32, i32, i32
  }
  func.func @transform_2(%arg0: i32) -> (i32, i32, i32) {
    %c0_i32 = arith.constant 0 : i32
    %c0_i32_0 = arith.constant 0 : i32
    %c0_i32_1 = arith.constant 0 : i32
    return %arg0, %c0_i32, %c0_i32_0 : i32, i32, i32
  }
}

module attributes {stable_mosaic.version = 14 : i64} {
  func.func @_node_order_body(%arg0: i32, %arg1: memref<1x512x1xf32, #tpu.memory_space<vmem>>, %arg2: memref<1x1x512xf32, #tpu.memory_space<vmem>>, %arg3: memref<1x256x1xi32, #tpu.memory_space<vmem>>) attributes {dimension_semantics = [#tpu.dimension_semantics<arbitrary>], iteration_bounds = array<i64: 8>, scalar_prefetch = 0 : i64, scratch_operands = 0 : i64, tpu.core_type = #tpu.core_type<tc>, window_params = [{transform_indices = @transform_0, window_bounds = array<i64: 1, 512, 1>}, {transform_indices = @transform_1, window_bounds = array<i64: 1, 1, 512>}, {transform_indices = @transform_2, window_bounds = array<i64: 1, 256, 1>}]} {
    %get3A = arith.constant 0 : index
    %get3A_0 = arith.constant 0 : index
    %get3A_1 = arith.constant 0 : index
    %get3A_2 = vector.load %arg1[%get3A, %get3A_0, %get3A_1] : memref<1x512x1xf32, #tpu.memory_space<vmem>>, vector<1x512x1xf32>
    %get3A_3 = vector.shape_cast %get3A_2 : vector<1x512x1xf32> to vector<512x1xf32>
    %get3A_4 = arith.constant 0 : index
    %get3A_5 = arith.constant 0 : index
    %get3A_6 = arith.constant 0 : index
    %get3A_7 = vector.load %arg2[%get3A_4, %get3A_5, %get3A_6] : memref<1x1x512xf32, #tpu.memory_space<vmem>>, vector<1x1x512xf32>
    %get3A_8 = vector.shape_cast %get3A_7 : vector<1x1x512xf32> to vector<1x512xf32>
    %iota3A = tpu.iota {dimensions = array<i32: 0>} : vector<512x512xi32>
    %iota3A_9 = tpu.iota {dimensions = array<i32: 1>} : vector<512x512xi32>
    %gt3A = vector.broadcast %get3A_3 : vector<512x1xf32> to vector<512x512xf32>
    %gt3A_10 = vector.broadcast %get3A_8 : vector<1x512xf32> to vector<512x512xf32>
    %gt3A_11 = arith.cmpf ogt, %gt3A, %gt3A_10 : vector<512x512xf32>
    %eq3A = vector.broadcast %get3A_3 : vector<512x1xf32> to vector<512x512xf32>
    %eq3A_12 = vector.broadcast %get3A_8 : vector<1x512xf32> to vector<512x512xf32>
    %eq3A_13 = arith.cmpf oeq, %eq3A, %eq3A_12 : vector<512x512xf32>
    %lt3A = arith.cmpi slt, %iota3A, %iota3A_9 : vector<512x512xi32>
    %and3A = arith.andi %eq3A_13, %lt3A : vector<512x512xi1>
    %or3A = arith.ori %gt3A_11, %and3A : vector<512x512xi1>
    %convert_element_type3A = arith.extui %or3A : vector<512x512xi1> to vector<512x512xi32>
    %reduce_sum3A = arith.constant dense<0> : vector<512xi32>
    %reduce_sum3A_14 = vector.multi_reduction <add>, %convert_element_type3A, %reduce_sum3A [0] : vector<512x512xi32> to vector<512xi32>
    %broadcast_in_dim3A = vector.shape_cast %reduce_sum3A_14 : vector<512xi32> to vector<1x512xi32>
    %iota3A_15 = tpu.iota {dimensions = array<i32: 0>} : vector<256x512xi32>
    %iota3A_16 = tpu.iota {dimensions = array<i32: 1>} : vector<256x512xi32>
    %eq3A_17 = vector.broadcast %broadcast_in_dim3A : vector<1x512xi32> to vector<256x512xi32>
    %eq3A_18 = arith.cmpi eq, %eq3A_17, %iota3A_15 : vector<256x512xi32>
    %jit3A = arith.constant 0 : i32
    %broadcast_in_dim3A_19 = vector.broadcast %jit3A : i32 to vector<256x512xi32>
    %select_n3A = arith.select %eq3A_18, %iota3A_16, %broadcast_in_dim3A_19 : vector<256x512xi1>, vector<256x512xi32>
    %reduce_sum3A_20 = arith.constant dense<0> : vector<256xi32>
    %reduce_sum3A_21 = vector.multi_reduction <add>, %select_n3A, %reduce_sum3A_20 [1] : vector<256x512xi32> to vector<256xi32>
    %broadcast_in_dim3A_22 = vector.shape_cast %reduce_sum3A_21 : vector<256xi32> to vector<256x1xi32>
    %swap3A = arith.constant 0 : index
    %swap3A_23 = arith.constant 0 : index
    %swap3A_24 = arith.constant 0 : index
    %swap3A_25 = vector.load %arg3[%swap3A, %swap3A_23, %swap3A_24] : memref<1x256x1xi32, #tpu.memory_space<vmem>>, vector<1x256x1xi32>
    %swap3A_26 = vector.shape_cast %swap3A_25 : vector<1x256x1xi32> to vector<256x1xi32>
    %swap3A_27 = vector.shape_cast %broadcast_in_dim3A_22 : vector<256x1xi32> to vector<1x256x1xi32>
    tpu.vector_store %arg3[%swap3A, %swap3A_23, %swap3A_24], %swap3A_27 {strides = array<i32>} : memref<1x256x1xi32, #tpu.memory_space<vmem>>, vector<1x256x1xi32>,
    return
  }
  func.func @transform_0(%arg0: i32) -> (i32, i32, i32) {
    %c0_i32 = arith.constant 0 : i32
    %c0_i32_0 = arith.constant 0 : i32
    %c0_i32_1 = arith.constant 0 : i32
    return %arg0, %c0_i32, %c0_i32_0 : i32, i32, i32
  }
  func.func @transform_1(%arg0: i32) -> (i32, i32, i32) {
    %c0_i32 = arith.constant 0 : i32
    %c0_i32_0 = arith.constant 0 : i32
    %c0_i32_1 = arith.constant 0 : i32
    return %arg0, %c0_i32, %c0_i32_0 : i32, i32, i32
  }
  func.func @transform_2(%arg0: i32) -> (i32, i32, i32) {
    %c0_i32 = arith.constant 0 : i32
    %c0_i32_0 = arith.constant 0 : i32
    %c0_i32_1 = arith.constant 0 : i32
    return %arg0, %c0_i32, %c0_i32_0 : i32, i32, i32
  }
}

module attributes {stable_mosaic.version = 14 : i64} {
  func.func @_edge_topk_body(%arg0: i32, %arg1: memref<1x1024x1024xf32, #tpu.memory_space<vmem>>, %arg2: memref<1x1024x1024xf32, #tpu.memory_space<vmem>>, %arg3: memref<1x1024x8xi32, #tpu.memory_space<vmem>>) attributes {dimension_semantics = [#tpu.dimension_semantics<arbitrary>], iteration_bounds = array<i64: 8>, scalar_prefetch = 0 : i64, scratch_operands = 0 : i64, tpu.core_type = #tpu.core_type<tc>, window_params = [{transform_indices = @transform_0, window_bounds = array<i64: 1, 1024, 1024>}, {transform_indices = @transform_1, window_bounds = array<i64: 1, 1024, 1024>}, {transform_indices = @transform_2, window_bounds = array<i64: 1, 1024, 8>}]} {
    %get3A = arith.constant 0 : index
    %get3A_0 = arith.constant 0 : index
    %get3A_1 = arith.constant 0 : index
    %get3A_2 = vector.load %arg1[%get3A, %get3A_0, %get3A_1] : memref<1x1024x1024xf32, #tpu.memory_space<vmem>>, vector<1x1024x1024xf32>
    %get3A_3 = vector.shape_cast %get3A_2 : vector<1x1024x1024xf32> to vector<1024x1024xf32>
    %get3A_4 = arith.constant 0 : index
    %get3A_5 = arith.constant 0 : index
    %get3A_6 = arith.constant 0 : index
    %get3A_7 = vector.load %arg2[%get3A_4, %get3A_5, %get3A_6] : memref<1x1024x1024xf32, #tpu.memory_space<vmem>>, vector<1x1024x1024xf32>
    %get3A_8 = vector.shape_cast %get3A_7 : vector<1x1024x1024xf32> to vector<1024x1024xf32>
    %iota3A = tpu.iota {dimensions = array<i32: 1>} : vector<1024x1024xi32>
    %iota3A_9 = tpu.iota {dimensions = array<i32: 0>} : vector<1024x1024xi32>
    %eq3A = arith.cmpi eq, %iota3A, %iota3A_9 : vector<1024x1024xi32>
    %sub3A = arith.subf %get3A_8, %get3A_3 : vector<1024x1024xf32>
    %jit3A = arith.constant 0xFF800000 : f32
    %broadcast_in_dim3A = vector.broadcast %jit3A : f32 to vector<1024x1024xf32>
    %select_n3A = arith.select %eq3A, %broadcast_in_dim3A, %sub3A : vector<1024x1024xi1>, vector<1024x1024xf32>
    %reduce_max3A = arith.constant dense<0xFF800000> : vector<1024xf32>
    %reduce_max3A_10 = vector.multi_reduction <maximumf>, %select_n3A, %reduce_max3A [1] : vector<1024x1024xf32> to vector<1024xf32>
    %broadcast_in_dim3A_11 = vector.shape_cast %reduce_max3A_10 : vector<1024xf32> to vector<1024x1xf32>
    %eq3A_12 = vector.broadcast %broadcast_in_dim3A_11 : vector<1024x1xf32> to vector<1024x1024xf32>
    %eq3A_13 = arith.cmpf oeq, %select_n3A, %eq3A_12 : vector<1024x1024xf32>
    %jit3A_14 = arith.constant 1024 : i32
    %broadcast_in_dim3A_15 = vector.broadcast %jit3A_14 : i32 to vector<1024x1024xi32>
    %select_n3A_16 = arith.select %eq3A_13, %iota3A, %broadcast_in_dim3A_15 : vector<1024x1024xi1>, vector<1024x1024xi32>
    %reduce_min3A = arith.constant dense<2147483647> : vector<1024xi32>
    %reduce_min3A_17 = vector.multi_reduction <minsi>, %select_n3A_16, %reduce_min3A [1] : vector<1024x1024xi32> to vector<1024xi32>
    %broadcast_in_dim3A_18 = vector.shape_cast %reduce_min3A_17 : vector<1024xi32> to vector<1024x1xi32>
    %swap3A = arith.constant 0 : index
    %swap3A_19 = arith.constant 0 : index
    %swap3A_20 = arith.constant 0 : index
    %swap3A_21 = vector.load %arg3[%swap3A, %swap3A_19, %swap3A_20] : memref<1x1024x8xi32, #tpu.memory_space<vmem>>, vector<1x1024x1xi32>
    %swap3A_22 = vector.shape_cast %swap3A_21 : vector<1x1024x1xi32> to vector<1024x1xi32>
    %swap3A_23 = vector.shape_cast %broadcast_in_dim3A_18 : vector<1024x1xi32> to vector<1x1024x1xi32>
    tpu.vector_store %arg3[%swap3A, %swap3A_19, %swap3A_20], %swap3A_23 {strides = array<i32>} : memref<1x1024x8xi32, #tpu.memory_space<vmem>>, vector<1x1024x1xi32>,
    %eq3A_24 = vector.broadcast %broadcast_in_dim3A_18 : vector<1024x1xi32> to vector<1024x1024xi32>
    %eq3A_25 = arith.cmpi eq, %iota3A, %eq3A_24 : vector<1024x1024xi32>
    %jit3A_26 = arith.constant 0xFF800000 : f32
    %broadcast_in_dim3A_27 = vector.broadcast %jit3A_26 : f32 to vector<1024x1024xf32>
    %select_n3A_28 = arith.select %eq3A_25, %broadcast_in_dim3A_27, %select_n3A : vector<1024x1024xi1>, vector<1024x1024xf32>
    %reduce_max3A_29 = arith.constant dense<0xFF800000> : vector<1024xf32>
    %reduce_max3A_30 = vector.multi_reduction <maximumf>, %select_n3A_28, %reduce_max3A_29 [1] : vector<1024x1024xf32> to vector<1024xf32>
    %broadcast_in_dim3A_31 = vector.shape_cast %reduce_max3A_30 : vector<1024xf32> to vector<1024x1xf32>
    %eq3A_32 = vector.broadcast %broadcast_in_dim3A_31 : vector<1024x1xf32> to vector<1024x1024xf32>
    %eq3A_33 = arith.cmpf oeq, %select_n3A_28, %eq3A_32 : vector<1024x1024xf32>
    %jit3A_34 = arith.constant 1024 : i32
    %broadcast_in_dim3A_35 = vector.broadcast %jit3A_34 : i32 to vector<1024x1024xi32>
    %select_n3A_36 = arith.select %eq3A_33, %iota3A, %broadcast_in_dim3A_35 : vector<1024x1024xi1>, vector<1024x1024xi32>
    %reduce_min3A_37 = arith.constant dense<2147483647> : vector<1024xi32>
    %reduce_min3A_38 = vector.multi_reduction <minsi>, %select_n3A_36, %reduce_min3A_37 [1] : vector<1024x1024xi32> to vector<1024xi32>
    %broadcast_in_dim3A_39 = vector.shape_cast %reduce_min3A_38 : vector<1024xi32> to vector<1024x1xi32>
    %swap3A_40 = arith.constant 0 : index
    %swap3A_41 = arith.constant 0 : index
    %swap3A_42 = arith.constant 1 : index
    %swap3A_43 = vector.load %arg3[%swap3A_40, %swap3A_41, %swap3A_42] : memref<1x1024x8xi32, #tpu.memory_space<vmem>>, vector<1x1024x1xi32>
    %swap3A_44 = vector.shape_cast %swap3A_43 : vector<1x1024x1xi32> to vector<1024x1xi32>
    %swap3A_45 = vector.shape_cast %broadcast_in_dim3A_39 : vector<1024x1xi32> to vector<1x1024x1xi32>
    tpu.vector_store %arg3[%swap3A_40, %swap3A_41, %swap3A_42], %swap3A_45 {strides = array<i32>} : memref<1x1024x8xi32, #tpu.memory_space<vmem>>, vector<1x1024x1xi32>,
    %eq3A_46 = vector.broadcast %broadcast_in_dim3A_39 : vector<1024x1xi32> to vector<1024x1024xi32>
    %eq3A_47 = arith.cmpi eq, %iota3A, %eq3A_46 : vector<1024x1024xi32>
    %jit3A_48 = arith.constant 0xFF800000 : f32
    %broadcast_in_dim3A_49 = vector.broadcast %jit3A_48 : f32 to vector<1024x1024xf32>
    %select_n3A_50 = arith.select %eq3A_47, %broadcast_in_dim3A_49, %select_n3A_28 : vector<1024x1024xi1>, vector<1024x1024xf32>
    %reduce_max3A_51 = arith.constant dense<0xFF800000> : vector<1024xf32>
    %reduce_max3A_52 = vector.multi_reduction <maximumf>, %select_n3A_50, %reduce_max3A_51 [1] : vector<1024x1024xf32> to vector<1024xf32>
    %broadcast_in_dim3A_53 = vector.shape_cast %reduce_max3A_52 : vector<1024xf32> to vector<1024x1xf32>
    %eq3A_54 = vector.broadcast %broadcast_in_dim3A_53 : vector<1024x1xf32> to vector<1024x1024xf32>
    %eq3A_55 = arith.cmpf oeq, %select_n3A_50, %eq3A_54 : vector<1024x1024xf32>
    %jit3A_56 = arith.constant 1024 : i32
    %broadcast_in_dim3A_57 = vector.broadcast %jit3A_56 : i32 to vector<1024x1024xi32>
    %select_n3A_58 = arith.select %eq3A_55, %iota3A, %broadcast_in_dim3A_57 : vector<1024x1024xi1>, vector<1024x1024xi32>
    %reduce_min3A_59 = arith.constant dense<2147483647> : vector<1024xi32>
    %reduce_min3A_60 = vector.multi_reduction <minsi>, %select_n3A_58, %reduce_min3A_59 [1] : vector<1024x1024xi32> to vector<1024xi32>
    %broadcast_in_dim3A_61 = vector.shape_cast %reduce_min3A_60 : vector<1024xi32> to vector<1024x1xi32>
    %swap3A_62 = arith.constant 0 : index
    %swap3A_63 = arith.constant 0 : index
    %swap3A_64 = arith.constant 2 : index
    %swap3A_65 = vector.load %arg3[%swap3A_62, %swap3A_63, %swap3A_64] : memref<1x1024x8xi32, #tpu.memory_space<vmem>>, vector<1x1024x1xi32>
    %swap3A_66 = vector.shape_cast %swap3A_65 : vector<1x1024x1xi32> to vector<1024x1xi32>
    %swap3A_67 = vector.shape_cast %broadcast_in_dim3A_61 : vector<1024x1xi32> to vector<1x1024x1xi32>
    tpu.vector_store %arg3[%swap3A_62, %swap3A_63, %swap3A_64], %swap3A_67 {strides = array<i32>} : memref<1x1024x8xi32, #tpu.memory_space<vmem>>, vector<1x1024x1xi32>,
    %eq3A_68 = vector.broadcast %broadcast_in_dim3A_61 : vector<1024x1xi32> to vector<1024x1024xi32>
    %eq3A_69 = arith.cmpi eq, %iota3A, %eq3A_68 : vector<1024x1024xi32>
    %jit3A_70 = arith.constant 0xFF800000 : f32
    %broadcast_in_dim3A_71 = vector.broadcast %jit3A_70 : f32 to vector<1024x1024xf32>
    %select_n3A_72 = arith.select %eq3A_69, %broadcast_in_dim3A_71, %select_n3A_50 : vector<1024x1024xi1>, vector<1024x1024xf32>
    %reduce_max3A_73 = arith.constant dense<0xFF800000> : vector<1024xf32>
    %reduce_max3A_74 = vector.multi_reduction <maximumf>, %select_n3A_72, %reduce_max3A_73 [1] : vector<1024x1024xf32> to vector<1024xf32>
    %broadcast_in_dim3A_75 = vector.shape_cast %reduce_max3A_74 : vector<1024xf32> to vector<1024x1xf32>
    %eq3A_76 = vector.broadcast %broadcast_in_dim3A_75 : vector<1024x1xf32> to vector<1024x1024xf32>
    %eq3A_77 = arith.cmpf oeq, %select_n3A_72, %eq3A_76 : vector<1024x1024xf32>
    %jit3A_78 = arith.constant 1024 : i32
    %broadcast_in_dim3A_79 = vector.broadcast %jit3A_78 : i32 to vector<1024x1024xi32>
    %select_n3A_80 = arith.select %eq3A_77, %iota3A, %broadcast_in_dim3A_79 : vector<1024x1024xi1>, vector<1024x1024xi32>
    %reduce_min3A_81 = arith.constant dense<2147483647> : vector<1024xi32>
    %reduce_min3A_82 = vector.multi_reduction <minsi>, %select_n3A_80, %reduce_min3A_81 [1] : vector<1024x1024xi32> to vector<1024xi32>
    %broadcast_in_dim3A_83 = vector.shape_cast %reduce_min3A_82 : vector<1024xi32> to vector<1024x1xi32>
    %swap3A_84 = arith.constant 0 : index
    %swap3A_85 = arith.constant 0 : index
    %swap3A_86 = arith.constant 3 : index
    %swap3A_87 = vector.load %arg3[%swap3A_84, %swap3A_85, %swap3A_86] : memref<1x1024x8xi32, #tpu.memory_space<vmem>>, vector<1x1024x1xi32>
    %swap3A_88 = vector.shape_cast %swap3A_87 : vector<1x1024x1xi32> to vector<1024x1xi32>
    %swap3A_89 = vector.shape_cast %broadcast_in_dim3A_83 : vector<1024x1xi32> to vector<1x1024x1xi32>
    tpu.vector_store %arg3[%swap3A_84, %swap3A_85, %swap3A_86], %swap3A_89 {strides = array<i32>} : memref<1x1024x8xi32, #tpu.memory_space<vmem>>, vector<1x1024x1xi32>,
    %eq3A_90 = vector.broadcast %broadcast_in_dim3A_83 : vector<1024x1xi32> to vector<1024x1024xi32>
    %eq3A_91 = arith.cmpi eq, %iota3A, %eq3A_90 : vector<1024x1024xi32>
    %jit3A_92 = arith.constant 0xFF800000 : f32
    %broadcast_in_dim3A_93 = vector.broadcast %jit3A_92 : f32 to vector<1024x1024xf32>
    %select_n3A_94 = arith.select %eq3A_91, %broadcast_in_dim3A_93, %select_n3A_72 : vector<1024x1024xi1>, vector<1024x1024xf32>
    %reduce_max3A_95 = arith.constant dense<0xFF800000> : vector<1024xf32>
    %reduce_max3A_96 = vector.multi_reduction <maximumf>, %select_n3A_94, %reduce_max3A_95 [1] : vector<1024x1024xf32> to vector<1024xf32>
    %broadcast_in_dim3A_97 = vector.shape_cast %reduce_max3A_96 : vector<1024xf32> to vector<1024x1xf32>
    %eq3A_98 = vector.broadcast %broadcast_in_dim3A_97 : vector<1024x1xf32> to vector<1024x1024xf32>
    %eq3A_99 = arith.cmpf oeq, %select_n3A_94, %eq3A_98 : vector<1024x1024xf32>
    %jit3A_100 = arith.constant 1024 : i32
    %broadcast_in_dim3A_101 = vector.broadcast %jit3A_100 : i32 to vector<1024x1024xi32>
    %select_n3A_102 = arith.select %eq3A_99, %iota3A, %broadcast_in_dim3A_101 : vector<1024x1024xi1>, vector<1024x1024xi32>
    %reduce_min3A_103 = arith.constant dense<2147483647> : vector<1024xi32>
    %reduce_min3A_104 = vector.multi_reduction <minsi>, %select_n3A_102, %reduce_min3A_103 [1] : vector<1024x1024xi32> to vector<1024xi32>
    %broadcast_in_dim3A_105 = vector.shape_cast %reduce_min3A_104 : vector<1024xi32> to vector<1024x1xi32>
    %swap3A_106 = arith.constant 0 : index
    %swap3A_107 = arith.constant 0 : index
    %swap3A_108 = arith.constant 4 : index
    %swap3A_109 = vector.load %arg3[%swap3A_106, %swap3A_107, %swap3A_108] : memref<1x1024x8xi32, #tpu.memory_space<vmem>>, vector<1x1024x1xi32>
    %swap3A_110 = vector.shape_cast %swap3A_109 : vector<1x1024x1xi32> to vector<1024x1xi32>
    %swap3A_111 = vector.shape_cast %broadcast_in_dim3A_105 : vector<1024x1xi32> to vector<1x1024x1xi32>
    tpu.vector_store %arg3[%swap3A_106, %swap3A_107, %swap3A_108], %swap3A_111 {strides = array<i32>} : memref<1x1024x8xi32, #tpu.memory_space<vmem>>, vector<1x1024x1xi32>,
    %eq3A_112 = vector.broadcast %broadcast_in_dim3A_105 : vector<1024x1xi32> to vector<1024x1024xi32>
    %eq3A_113 = arith.cmpi eq, %iota3A, %eq3A_112 : vector<1024x1024xi32>
    %jit3A_114 = arith.constant 0xFF800000 : f32
    %broadcast_in_dim3A_115 = vector.broadcast %jit3A_114 : f32 to vector<1024x1024xf32>
    %select_n3A_116 = arith.select %eq3A_113, %broadcast_in_dim3A_115, %select_n3A_94 : vector<1024x1024xi1>, vector<1024x1024xf32>
    %reduce_max3A_117 = arith.constant dense<0xFF800000> : vector<1024xf32>
    %reduce_max3A_118 = vector.multi_reduction <maximumf>, %select_n3A_116, %reduce_max3A_117 [1] : vector<1024x1024xf32> to vector<1024xf32>
    %broadcast_in_dim3A_119 = vector.shape_cast %reduce_max3A_118 : vector<1024xf32> to vector<1024x1xf32>
    %eq3A_120 = vector.broadcast %broadcast_in_dim3A_119 : vector<1024x1xf32> to vector<1024x1024xf32>
    %eq3A_121 = arith.cmpf oeq, %select_n3A_116, %eq3A_120 : vector<1024x1024xf32>
    %jit3A_122 = arith.constant 1024 : i32
    %broadcast_in_dim3A_123 = vector.broadcast %jit3A_122 : i32 to vector<1024x1024xi32>
    %select_n3A_124 = arith.select %eq3A_121, %iota3A, %broadcast_in_dim3A_123 : vector<1024x1024xi1>, vector<1024x1024xi32>
    %reduce_min3A_125 = arith.constant dense<2147483647> : vector<1024xi32>
    %reduce_min3A_126 = vector.multi_reduction <minsi>, %select_n3A_124, %reduce_min3A_125 [1] : vector<1024x1024xi32> to vector<1024xi32>
    %broadcast_in_dim3A_127 = vector.shape_cast %reduce_min3A_126 : vector<1024xi32> to vector<1024x1xi32>
    %swap3A_128 = arith.constant 0 : index
    %swap3A_129 = arith.constant 0 : index
    %swap3A_130 = arith.constant 5 : index
    %swap3A_131 = vector.load %arg3[%swap3A_128, %swap3A_129, %swap3A_130] : memref<1x1024x8xi32, #tpu.memory_space<vmem>>, vector<1x1024x1xi32>
    %swap3A_132 = vector.shape_cast %swap3A_131 : vector<1x1024x1xi32> to vector<1024x1xi32>
    %swap3A_133 = vector.shape_cast %broadcast_in_dim3A_127 : vector<1024x1xi32> to vector<1x1024x1xi32>
    tpu.vector_store %arg3[%swap3A_128, %swap3A_129, %swap3A_130], %swap3A_133 {strides = array<i32>} : memref<1x1024x8xi32, #tpu.memory_space<vmem>>, vector<1x1024x1xi32>,
    %eq3A_134 = vector.broadcast %broadcast_in_dim3A_127 : vector<1024x1xi32> to vector<1024x1024xi32>
    %eq3A_135 = arith.cmpi eq, %iota3A, %eq3A_134 : vector<1024x1024xi32>
    %jit3A_136 = arith.constant 0xFF800000 : f32
    %broadcast_in_dim3A_137 = vector.broadcast %jit3A_136 : f32 to vector<1024x1024xf32>
    %select_n3A_138 = arith.select %eq3A_135, %broadcast_in_dim3A_137, %select_n3A_116 : vector<1024x1024xi1>, vector<1024x1024xf32>
    %reduce_max3A_139 = arith.constant dense<0xFF800000> : vector<1024xf32>
    %reduce_max3A_140 = vector.multi_reduction <maximumf>, %select_n3A_138, %reduce_max3A_139 [1] : vector<1024x1024xf32> to vector<1024xf32>
    %broadcast_in_dim3A_141 = vector.shape_cast %reduce_max3A_140 : vector<1024xf32> to vector<1024x1xf32>
    %eq3A_142 = vector.broadcast %broadcast_in_dim3A_141 : vector<1024x1xf32> to vector<1024x1024xf32>
    %eq3A_143 = arith.cmpf oeq, %select_n3A_138, %eq3A_142 : vector<1024x1024xf32>
    %jit3A_144 = arith.constant 1024 : i32
    %broadcast_in_dim3A_145 = vector.broadcast %jit3A_144 : i32 to vector<1024x1024xi32>
    %select_n3A_146 = arith.select %eq3A_143, %iota3A, %broadcast_in_dim3A_145 : vector<1024x1024xi1>, vector<1024x1024xi32>
    %reduce_min3A_147 = arith.constant dense<2147483647> : vector<1024xi32>
    %reduce_min3A_148 = vector.multi_reduction <minsi>, %select_n3A_146, %reduce_min3A_147 [1] : vector<1024x1024xi32> to vector<1024xi32>
    %broadcast_in_dim3A_149 = vector.shape_cast %reduce_min3A_148 : vector<1024xi32> to vector<1024x1xi32>
    %swap3A_150 = arith.constant 0 : index
    %swap3A_151 = arith.constant 0 : index
    %swap3A_152 = arith.constant 6 : index
    %swap3A_153 = vector.load %arg3[%swap3A_150, %swap3A_151, %swap3A_152] : memref<1x1024x8xi32, #tpu.memory_space<vmem>>, vector<1x1024x1xi32>
    %swap3A_154 = vector.shape_cast %swap3A_153 : vector<1x1024x1xi32> to vector<1024x1xi32>
    %swap3A_155 = vector.shape_cast %broadcast_in_dim3A_149 : vector<1024x1xi32> to vector<1x1024x1xi32>
    tpu.vector_store %arg3[%swap3A_150, %swap3A_151, %swap3A_152], %swap3A_155 {strides = array<i32>} : memref<1x1024x8xi32, #tpu.memory_space<vmem>>, vector<1x1024x1xi32>,
    %eq3A_156 = vector.broadcast %broadcast_in_dim3A_149 : vector<1024x1xi32> to vector<1024x1024xi32>
    %eq3A_157 = arith.cmpi eq, %iota3A, %eq3A_156 : vector<1024x1024xi32>
    %jit3A_158 = arith.constant 0xFF800000 : f32
    %broadcast_in_dim3A_159 = vector.broadcast %jit3A_158 : f32 to vector<1024x1024xf32>
    %select_n3A_160 = arith.select %eq3A_157, %broadcast_in_dim3A_159, %select_n3A_138 : vector<1024x1024xi1>, vector<1024x1024xf32>
    %reduce_max3A_161 = arith.constant dense<0xFF800000> : vector<1024xf32>
    %reduce_max3A_162 = vector.multi_reduction <maximumf>, %select_n3A_160, %reduce_max3A_161 [1] : vector<1024x1024xf32> to vector<1024xf32>
    %broadcast_in_dim3A_163 = vector.shape_cast %reduce_max3A_162 : vector<1024xf32> to vector<1024x1xf32>
    %eq3A_164 = vector.broadcast %broadcast_in_dim3A_163 : vector<1024x1xf32> to vector<1024x1024xf32>
    %eq3A_165 = arith.cmpf oeq, %select_n3A_160, %eq3A_164 : vector<1024x1024xf32>
    %jit3A_166 = arith.constant 1024 : i32
    %broadcast_in_dim3A_167 = vector.broadcast %jit3A_166 : i32 to vector<1024x1024xi32>
    %select_n3A_168 = arith.select %eq3A_165, %iota3A, %broadcast_in_dim3A_167 : vector<1024x1024xi1>, vector<1024x1024xi32>
    %reduce_min3A_169 = arith.constant dense<2147483647> : vector<1024xi32>
    %reduce_min3A_170 = vector.multi_reduction <minsi>, %select_n3A_168, %reduce_min3A_169 [1] : vector<1024x1024xi32> to vector<1024xi32>
    %broadcast_in_dim3A_171 = vector.shape_cast %reduce_min3A_170 : vector<1024xi32> to vector<1024x1xi32>
    %swap3A_172 = arith.constant 0 : index
    %swap3A_173 = arith.constant 0 : index
    %swap3A_174 = arith.constant 7 : index
    %swap3A_175 = vector.load %arg3[%swap3A_172, %swap3A_173, %swap3A_174] : memref<1x1024x8xi32, #tpu.memory_space<vmem>>, vector<1x1024x1xi32>
    %swap3A_176 = vector.shape_cast %swap3A_175 : vector<1x1024x1xi32> to vector<1024x1xi32>
    %swap3A_177 = vector.shape_cast %broadcast_in_dim3A_171 : vector<1024x1xi32> to vector<1x1024x1xi32>
    tpu.vector_store %arg3[%swap3A_172, %swap3A_173, %swap3A_174], %swap3A_177 {strides = array<i32>} : memref<1x1024x8xi32, #tpu.memory_space<vmem>>, vector<1x1024x1xi32>,
    return
  }
  func.func @transform_0(%arg0: i32) -> (i32, i32, i32) {
    %c0_i32 = arith.constant 0 : i32
    %c0_i32_0 = arith.constant 0 : i32
    %c0_i32_1 = arith.constant 0 : i32
    return %arg0, %c0_i32, %c0_i32_0 : i32, i32, i32
  }
  func.func @transform_1(%arg0: i32) -> (i32, i32, i32) {
    %c0_i32 = arith.constant 0 : i32
    %c0_i32_0 = arith.constant 0 : i32
    %c0_i32_1 = arith.constant 0 : i32
    return %arg0, %c0_i32, %c0_i32_0 : i32, i32, i32
  }
  func.func @transform_2(%arg0: i32) -> (i32, i32, i32) {
    %c0_i32 = arith.constant 0 : i32
    %c0_i32_0 = arith.constant 0 : i32
    %c0_i32_1 = arith.constant 0 : i32
    return %arg0, %c0_i32, %c0_i32_0 : i32, i32, i32
  }
}

module attributes {stable_mosaic.version = 14 : i64} {
  func.func @_edge_topk_body(%arg0: i32, %arg1: memref<1x512x512xf32, #tpu.memory_space<vmem>>, %arg2: memref<1x512x512xf32, #tpu.memory_space<vmem>>, %arg3: memref<1x512x4xi32, #tpu.memory_space<vmem>>) attributes {dimension_semantics = [#tpu.dimension_semantics<arbitrary>], iteration_bounds = array<i64: 8>, scalar_prefetch = 0 : i64, scratch_operands = 0 : i64, tpu.core_type = #tpu.core_type<tc>, window_params = [{transform_indices = @transform_0, window_bounds = array<i64: 1, 512, 512>}, {transform_indices = @transform_1, window_bounds = array<i64: 1, 512, 512>}, {transform_indices = @transform_2, window_bounds = array<i64: 1, 512, 4>}]} {
    %get3A = arith.constant 0 : index
    %get3A_0 = arith.constant 0 : index
    %get3A_1 = arith.constant 0 : index
    %get3A_2 = vector.load %arg1[%get3A, %get3A_0, %get3A_1] : memref<1x512x512xf32, #tpu.memory_space<vmem>>, vector<1x512x512xf32>
    %get3A_3 = vector.shape_cast %get3A_2 : vector<1x512x512xf32> to vector<512x512xf32>
    %get3A_4 = arith.constant 0 : index
    %get3A_5 = arith.constant 0 : index
    %get3A_6 = arith.constant 0 : index
    %get3A_7 = vector.load %arg2[%get3A_4, %get3A_5, %get3A_6] : memref<1x512x512xf32, #tpu.memory_space<vmem>>, vector<1x512x512xf32>
    %get3A_8 = vector.shape_cast %get3A_7 : vector<1x512x512xf32> to vector<512x512xf32>
    %iota3A = tpu.iota {dimensions = array<i32: 1>} : vector<512x512xi32>
    %iota3A_9 = tpu.iota {dimensions = array<i32: 0>} : vector<512x512xi32>
    %eq3A = arith.cmpi eq, %iota3A, %iota3A_9 : vector<512x512xi32>
    %sub3A = arith.subf %get3A_8, %get3A_3 : vector<512x512xf32>
    %jit3A = arith.constant 0xFF800000 : f32
    %broadcast_in_dim3A = vector.broadcast %jit3A : f32 to vector<512x512xf32>
    %select_n3A = arith.select %eq3A, %broadcast_in_dim3A, %sub3A : vector<512x512xi1>, vector<512x512xf32>
    %reduce_max3A = arith.constant dense<0xFF800000> : vector<512xf32>
    %reduce_max3A_10 = vector.multi_reduction <maximumf>, %select_n3A, %reduce_max3A [1] : vector<512x512xf32> to vector<512xf32>
    %broadcast_in_dim3A_11 = vector.shape_cast %reduce_max3A_10 : vector<512xf32> to vector<512x1xf32>
    %eq3A_12 = vector.broadcast %broadcast_in_dim3A_11 : vector<512x1xf32> to vector<512x512xf32>
    %eq3A_13 = arith.cmpf oeq, %select_n3A, %eq3A_12 : vector<512x512xf32>
    %jit3A_14 = arith.constant 512 : i32
    %broadcast_in_dim3A_15 = vector.broadcast %jit3A_14 : i32 to vector<512x512xi32>
    %select_n3A_16 = arith.select %eq3A_13, %iota3A, %broadcast_in_dim3A_15 : vector<512x512xi1>, vector<512x512xi32>
    %reduce_min3A = arith.constant dense<2147483647> : vector<512xi32>
    %reduce_min3A_17 = vector.multi_reduction <minsi>, %select_n3A_16, %reduce_min3A [1] : vector<512x512xi32> to vector<512xi32>
    %broadcast_in_dim3A_18 = vector.shape_cast %reduce_min3A_17 : vector<512xi32> to vector<512x1xi32>
    %swap3A = arith.constant 0 : index
    %swap3A_19 = arith.constant 0 : index
    %swap3A_20 = arith.constant 0 : index
    %swap3A_21 = vector.load %arg3[%swap3A, %swap3A_19, %swap3A_20] : memref<1x512x4xi32, #tpu.memory_space<vmem>>, vector<1x512x1xi32>
    %swap3A_22 = vector.shape_cast %swap3A_21 : vector<1x512x1xi32> to vector<512x1xi32>
    %swap3A_23 = vector.shape_cast %broadcast_in_dim3A_18 : vector<512x1xi32> to vector<1x512x1xi32>
    tpu.vector_store %arg3[%swap3A, %swap3A_19, %swap3A_20], %swap3A_23 {strides = array<i32>} : memref<1x512x4xi32, #tpu.memory_space<vmem>>, vector<1x512x1xi32>,
    %eq3A_24 = vector.broadcast %broadcast_in_dim3A_18 : vector<512x1xi32> to vector<512x512xi32>
    %eq3A_25 = arith.cmpi eq, %iota3A, %eq3A_24 : vector<512x512xi32>
    %jit3A_26 = arith.constant 0xFF800000 : f32
    %broadcast_in_dim3A_27 = vector.broadcast %jit3A_26 : f32 to vector<512x512xf32>
    %select_n3A_28 = arith.select %eq3A_25, %broadcast_in_dim3A_27, %select_n3A : vector<512x512xi1>, vector<512x512xf32>
    %reduce_max3A_29 = arith.constant dense<0xFF800000> : vector<512xf32>
    %reduce_max3A_30 = vector.multi_reduction <maximumf>, %select_n3A_28, %reduce_max3A_29 [1] : vector<512x512xf32> to vector<512xf32>
    %broadcast_in_dim3A_31 = vector.shape_cast %reduce_max3A_30 : vector<512xf32> to vector<512x1xf32>
    %eq3A_32 = vector.broadcast %broadcast_in_dim3A_31 : vector<512x1xf32> to vector<512x512xf32>
    %eq3A_33 = arith.cmpf oeq, %select_n3A_28, %eq3A_32 : vector<512x512xf32>
    %jit3A_34 = arith.constant 512 : i32
    %broadcast_in_dim3A_35 = vector.broadcast %jit3A_34 : i32 to vector<512x512xi32>
    %select_n3A_36 = arith.select %eq3A_33, %iota3A, %broadcast_in_dim3A_35 : vector<512x512xi1>, vector<512x512xi32>
    %reduce_min3A_37 = arith.constant dense<2147483647> : vector<512xi32>
    %reduce_min3A_38 = vector.multi_reduction <minsi>, %select_n3A_36, %reduce_min3A_37 [1] : vector<512x512xi32> to vector<512xi32>
    %broadcast_in_dim3A_39 = vector.shape_cast %reduce_min3A_38 : vector<512xi32> to vector<512x1xi32>
    %swap3A_40 = arith.constant 0 : index
    %swap3A_41 = arith.constant 0 : index
    %swap3A_42 = arith.constant 1 : index
    %swap3A_43 = vector.load %arg3[%swap3A_40, %swap3A_41, %swap3A_42] : memref<1x512x4xi32, #tpu.memory_space<vmem>>, vector<1x512x1xi32>
    %swap3A_44 = vector.shape_cast %swap3A_43 : vector<1x512x1xi32> to vector<512x1xi32>
    %swap3A_45 = vector.shape_cast %broadcast_in_dim3A_39 : vector<512x1xi32> to vector<1x512x1xi32>
    tpu.vector_store %arg3[%swap3A_40, %swap3A_41, %swap3A_42], %swap3A_45 {strides = array<i32>} : memref<1x512x4xi32, #tpu.memory_space<vmem>>, vector<1x512x1xi32>,
    %eq3A_46 = vector.broadcast %broadcast_in_dim3A_39 : vector<512x1xi32> to vector<512x512xi32>
    %eq3A_47 = arith.cmpi eq, %iota3A, %eq3A_46 : vector<512x512xi32>
    %jit3A_48 = arith.constant 0xFF800000 : f32
    %broadcast_in_dim3A_49 = vector.broadcast %jit3A_48 : f32 to vector<512x512xf32>
    %select_n3A_50 = arith.select %eq3A_47, %broadcast_in_dim3A_49, %select_n3A_28 : vector<512x512xi1>, vector<512x512xf32>
    %reduce_max3A_51 = arith.constant dense<0xFF800000> : vector<512xf32>
    %reduce_max3A_52 = vector.multi_reduction <maximumf>, %select_n3A_50, %reduce_max3A_51 [1] : vector<512x512xf32> to vector<512xf32>
    %broadcast_in_dim3A_53 = vector.shape_cast %reduce_max3A_52 : vector<512xf32> to vector<512x1xf32>
    %eq3A_54 = vector.broadcast %broadcast_in_dim3A_53 : vector<512x1xf32> to vector<512x512xf32>
    %eq3A_55 = arith.cmpf oeq, %select_n3A_50, %eq3A_54 : vector<512x512xf32>
    %jit3A_56 = arith.constant 512 : i32
    %broadcast_in_dim3A_57 = vector.broadcast %jit3A_56 : i32 to vector<512x512xi32>
    %select_n3A_58 = arith.select %eq3A_55, %iota3A, %broadcast_in_dim3A_57 : vector<512x512xi1>, vector<512x512xi32>
    %reduce_min3A_59 = arith.constant dense<2147483647> : vector<512xi32>
    %reduce_min3A_60 = vector.multi_reduction <minsi>, %select_n3A_58, %reduce_min3A_59 [1] : vector<512x512xi32> to vector<512xi32>
    %broadcast_in_dim3A_61 = vector.shape_cast %reduce_min3A_60 : vector<512xi32> to vector<512x1xi32>
    %swap3A_62 = arith.constant 0 : index
    %swap3A_63 = arith.constant 0 : index
    %swap3A_64 = arith.constant 2 : index
    %swap3A_65 = vector.load %arg3[%swap3A_62, %swap3A_63, %swap3A_64] : memref<1x512x4xi32, #tpu.memory_space<vmem>>, vector<1x512x1xi32>
    %swap3A_66 = vector.shape_cast %swap3A_65 : vector<1x512x1xi32> to vector<512x1xi32>
    %swap3A_67 = vector.shape_cast %broadcast_in_dim3A_61 : vector<512x1xi32> to vector<1x512x1xi32>
    tpu.vector_store %arg3[%swap3A_62, %swap3A_63, %swap3A_64], %swap3A_67 {strides = array<i32>} : memref<1x512x4xi32, #tpu.memory_space<vmem>>, vector<1x512x1xi32>,
    %eq3A_68 = vector.broadcast %broadcast_in_dim3A_61 : vector<512x1xi32> to vector<512x512xi32>
    %eq3A_69 = arith.cmpi eq, %iota3A, %eq3A_68 : vector<512x512xi32>
    %jit3A_70 = arith.constant 0xFF800000 : f32
    %broadcast_in_dim3A_71 = vector.broadcast %jit3A_70 : f32 to vector<512x512xf32>
    %select_n3A_72 = arith.select %eq3A_69, %broadcast_in_dim3A_71, %select_n3A_50 : vector<512x512xi1>, vector<512x512xf32>
    %reduce_max3A_73 = arith.constant dense<0xFF800000> : vector<512xf32>
    %reduce_max3A_74 = vector.multi_reduction <maximumf>, %select_n3A_72, %reduce_max3A_73 [1] : vector<512x512xf32> to vector<512xf32>
    %broadcast_in_dim3A_75 = vector.shape_cast %reduce_max3A_74 : vector<512xf32> to vector<512x1xf32>
    %eq3A_76 = vector.broadcast %broadcast_in_dim3A_75 : vector<512x1xf32> to vector<512x512xf32>
    %eq3A_77 = arith.cmpf oeq, %select_n3A_72, %eq3A_76 : vector<512x512xf32>
    %jit3A_78 = arith.constant 512 : i32
    %broadcast_in_dim3A_79 = vector.broadcast %jit3A_78 : i32 to vector<512x512xi32>
    %select_n3A_80 = arith.select %eq3A_77, %iota3A, %broadcast_in_dim3A_79 : vector<512x512xi1>, vector<512x512xi32>
    %reduce_min3A_81 = arith.constant dense<2147483647> : vector<512xi32>
    %reduce_min3A_82 = vector.multi_reduction <minsi>, %select_n3A_80, %reduce_min3A_81 [1] : vector<512x512xi32> to vector<512xi32>
    %broadcast_in_dim3A_83 = vector.shape_cast %reduce_min3A_82 : vector<512xi32> to vector<512x1xi32>
    %swap3A_84 = arith.constant 0 : index
    %swap3A_85 = arith.constant 0 : index
    %swap3A_86 = arith.constant 3 : index
    %swap3A_87 = vector.load %arg3[%swap3A_84, %swap3A_85, %swap3A_86] : memref<1x512x4xi32, #tpu.memory_space<vmem>>, vector<1x512x1xi32>
    %swap3A_88 = vector.shape_cast %swap3A_87 : vector<1x512x1xi32> to vector<512x1xi32>
    %swap3A_89 = vector.shape_cast %broadcast_in_dim3A_83 : vector<512x1xi32> to vector<1x512x1xi32>
    tpu.vector_store %arg3[%swap3A_84, %swap3A_85, %swap3A_86], %swap3A_89 {strides = array<i32>} : memref<1x512x4xi32, #tpu.memory_space<vmem>>, vector<1x512x1xi32>,
    return
  }
  func.func @transform_0(%arg0: i32) -> (i32, i32, i32) {
    %c0_i32 = arith.constant 0 : i32
    %c0_i32_0 = arith.constant 0 : i32
    %c0_i32_1 = arith.constant 0 : i32
    return %arg0, %c0_i32, %c0_i32_0 : i32, i32, i32
  }
  func.func @transform_1(%arg0: i32) -> (i32, i32, i32) {
    %c0_i32 = arith.constant 0 : i32
    %c0_i32_0 = arith.constant 0 : i32
    %c0_i32_1 = arith.constant 0 : i32
    return %arg0, %c0_i32, %c0_i32_0 : i32, i32, i32
  }
  func.func @transform_2(%arg0: i32) -> (i32, i32, i32) {
    %c0_i32 = arith.constant 0 : i32
    %c0_i32_0 = arith.constant 0 : i32
    %c0_i32_1 = arith.constant 0 : i32
    return %arg0, %c0_i32, %c0_i32_0 : i32, i32, i32
  }
}

module attributes {stable_mosaic.version = 14 : i64} {
  func.func @_edge_topk_body(%arg0: i32, %arg1: memref<1x256x256xf32, #tpu.memory_space<vmem>>, %arg2: memref<1x256x256xf32, #tpu.memory_space<vmem>>, %arg3: memref<1x256x2xi32, #tpu.memory_space<vmem>>) attributes {dimension_semantics = [#tpu.dimension_semantics<arbitrary>], iteration_bounds = array<i64: 8>, scalar_prefetch = 0 : i64, scratch_operands = 0 : i64, tpu.core_type = #tpu.core_type<tc>, window_params = [{transform_indices = @transform_0, window_bounds = array<i64: 1, 256, 256>}, {transform_indices = @transform_1, window_bounds = array<i64: 1, 256, 256>}, {transform_indices = @transform_2, window_bounds = array<i64: 1, 256, 2>}]} {
    %get3A = arith.constant 0 : index
    %get3A_0 = arith.constant 0 : index
    %get3A_1 = arith.constant 0 : index
    %get3A_2 = vector.load %arg1[%get3A, %get3A_0, %get3A_1] : memref<1x256x256xf32, #tpu.memory_space<vmem>>, vector<1x256x256xf32>
    %get3A_3 = vector.shape_cast %get3A_2 : vector<1x256x256xf32> to vector<256x256xf32>
    %get3A_4 = arith.constant 0 : index
    %get3A_5 = arith.constant 0 : index
    %get3A_6 = arith.constant 0 : index
    %get3A_7 = vector.load %arg2[%get3A_4, %get3A_5, %get3A_6] : memref<1x256x256xf32, #tpu.memory_space<vmem>>, vector<1x256x256xf32>
    %get3A_8 = vector.shape_cast %get3A_7 : vector<1x256x256xf32> to vector<256x256xf32>
    %iota3A = tpu.iota {dimensions = array<i32: 1>} : vector<256x256xi32>
    %iota3A_9 = tpu.iota {dimensions = array<i32: 0>} : vector<256x256xi32>
    %eq3A = arith.cmpi eq, %iota3A, %iota3A_9 : vector<256x256xi32>
    %sub3A = arith.subf %get3A_8, %get3A_3 : vector<256x256xf32>
    %jit3A = arith.constant 0xFF800000 : f32
    %broadcast_in_dim3A = vector.broadcast %jit3A : f32 to vector<256x256xf32>
    %select_n3A = arith.select %eq3A, %broadcast_in_dim3A, %sub3A : vector<256x256xi1>, vector<256x256xf32>
    %reduce_max3A = arith.constant dense<0xFF800000> : vector<256xf32>
    %reduce_max3A_10 = vector.multi_reduction <maximumf>, %select_n3A, %reduce_max3A [1] : vector<256x256xf32> to vector<256xf32>
    %broadcast_in_dim3A_11 = vector.shape_cast %reduce_max3A_10 : vector<256xf32> to vector<256x1xf32>
    %eq3A_12 = vector.broadcast %broadcast_in_dim3A_11 : vector<256x1xf32> to vector<256x256xf32>
    %eq3A_13 = arith.cmpf oeq, %select_n3A, %eq3A_12 : vector<256x256xf32>
    %jit3A_14 = arith.constant 256 : i32
    %broadcast_in_dim3A_15 = vector.broadcast %jit3A_14 : i32 to vector<256x256xi32>
    %select_n3A_16 = arith.select %eq3A_13, %iota3A, %broadcast_in_dim3A_15 : vector<256x256xi1>, vector<256x256xi32>
    %reduce_min3A = arith.constant dense<2147483647> : vector<256xi32>
    %reduce_min3A_17 = vector.multi_reduction <minsi>, %select_n3A_16, %reduce_min3A [1] : vector<256x256xi32> to vector<256xi32>
    %broadcast_in_dim3A_18 = vector.shape_cast %reduce_min3A_17 : vector<256xi32> to vector<256x1xi32>
    %swap3A = arith.constant 0 : index
    %swap3A_19 = arith.constant 0 : index
    %swap3A_20 = arith.constant 0 : index
    %swap3A_21 = vector.load %arg3[%swap3A, %swap3A_19, %swap3A_20] : memref<1x256x2xi32, #tpu.memory_space<vmem>>, vector<1x256x1xi32>
    %swap3A_22 = vector.shape_cast %swap3A_21 : vector<1x256x1xi32> to vector<256x1xi32>
    %swap3A_23 = vector.shape_cast %broadcast_in_dim3A_18 : vector<256x1xi32> to vector<1x256x1xi32>
    tpu.vector_store %arg3[%swap3A, %swap3A_19, %swap3A_20], %swap3A_23 {strides = array<i32>} : memref<1x256x2xi32, #tpu.memory_space<vmem>>, vector<1x256x1xi32>,
    %eq3A_24 = vector.broadcast %broadcast_in_dim3A_18 : vector<256x1xi32> to vector<256x256xi32>
    %eq3A_25 = arith.cmpi eq, %iota3A, %eq3A_24 : vector<256x256xi32>
    %jit3A_26 = arith.constant 0xFF800000 : f32
    %broadcast_in_dim3A_27 = vector.broadcast %jit3A_26 : f32 to vector<256x256xf32>
    %select_n3A_28 = arith.select %eq3A_25, %broadcast_in_dim3A_27, %select_n3A : vector<256x256xi1>, vector<256x256xf32>
    %reduce_max3A_29 = arith.constant dense<0xFF800000> : vector<256xf32>
    %reduce_max3A_30 = vector.multi_reduction <maximumf>, %select_n3A_28, %reduce_max3A_29 [1] : vector<256x256xf32> to vector<256xf32>
    %broadcast_in_dim3A_31 = vector.shape_cast %reduce_max3A_30 : vector<256xf32> to vector<256x1xf32>
    %eq3A_32 = vector.broadcast %broadcast_in_dim3A_31 : vector<256x1xf32> to vector<256x256xf32>
    %eq3A_33 = arith.cmpf oeq, %select_n3A_28, %eq3A_32 : vector<256x256xf32>
    %jit3A_34 = arith.constant 256 : i32
    %broadcast_in_dim3A_35 = vector.broadcast %jit3A_34 : i32 to vector<256x256xi32>
    %select_n3A_36 = arith.select %eq3A_33, %iota3A, %broadcast_in_dim3A_35 : vector<256x256xi1>, vector<256x256xi32>
    %reduce_min3A_37 = arith.constant dense<2147483647> : vector<256xi32>
    %reduce_min3A_38 = vector.multi_reduction <minsi>, %select_n3A_36, %reduce_min3A_37 [1] : vector<256x256xi32> to vector<256xi32>
    %broadcast_in_dim3A_39 = vector.shape_cast %reduce_min3A_38 : vector<256xi32> to vector<256x1xi32>
    %swap3A_40 = arith.constant 0 : index
    %swap3A_41 = arith.constant 0 : index
    %swap3A_42 = arith.constant 1 : index
    %swap3A_43 = vector.load %arg3[%swap3A_40, %swap3A_41, %swap3A_42] : memref<1x256x2xi32, #tpu.memory_space<vmem>>, vector<1x256x1xi32>
    %swap3A_44 = vector.shape_cast %swap3A_43 : vector<1x256x1xi32> to vector<256x1xi32>
    %swap3A_45 = vector.shape_cast %broadcast_in_dim3A_39 : vector<256x1xi32> to vector<1x256x1xi32>
    tpu.vector_store %arg3[%swap3A_40, %swap3A_41, %swap3A_42], %swap3A_45 {strides = array<i32>} : memref<1x256x2xi32, #tpu.memory_space<vmem>>, vector<1x256x1xi32>,
    return
  }
  func.func @transform_0(%arg0: i32) -> (i32, i32, i32) {
    %c0_i32 = arith.constant 0 : i32
    %c0_i32_0 = arith.constant 0 : i32
    %c0_i32_1 = arith.constant 0 : i32
    return %arg0, %c0_i32, %c0_i32_0 : i32, i32, i32
  }
  func.func @transform_1(%arg0: i32) -> (i32, i32, i32) {
    %c0_i32 = arith.constant 0 : i32
    %c0_i32_0 = arith.constant 0 : i32
    %c0_i32_1 = arith.constant 0 : i32
    return %arg0, %c0_i32, %c0_i32_0 : i32, i32, i32
  }
  func.func @transform_2(%arg0: i32) -> (i32, i32, i32) {
    %c0_i32 = arith.constant 0 : i32
    %c0_i32_0 = arith.constant 0 : i32
    %c0_i32_1 = arith.constant 0 : i32
    return %arg0, %c0_i32, %c0_i32_0 : i32, i32, i32
  }
}

module attributes {stable_mosaic.version = 14 : i64} {
  func.func @_gcn_body(%arg0: i32, %arg1: memref<1x1024x256xf32, #tpu.memory_space<vmem>>, %arg2: memref<1x1024x256xf32, #tpu.memory_space<vmem>>, %arg3: memref<64x4xf32, #tpu.memory_space<vmem>>, %arg4: memref<1x64xf32, #tpu.memory_space<vmem>>, %arg5: memref<128x64xf32, #tpu.memory_space<vmem>>, %arg6: memref<1x128xf32, #tpu.memory_space<vmem>>, %arg7: memref<64x64xf32, #tpu.memory_space<vmem>>, %arg8: memref<1x64xf32, #tpu.memory_space<vmem>>, %arg9: memref<64x64xf32, #tpu.memory_space<vmem>>, %arg10: memref<1x64xf32, #tpu.memory_space<vmem>>, %arg11: memref<64x64xf32, #tpu.memory_space<vmem>>, %arg12: memref<1x64xf32, #tpu.memory_space<vmem>>, %arg13: memref<1x1024x8xi32, #tpu.memory_space<vmem>>, %arg14: memref<1x512x4xi32, #tpu.memory_space<vmem>>, %arg15: memref<1x256x2xi32, #tpu.memory_space<vmem>>, %arg16: memref<1x512x1xi32, #tpu.memory_space<vmem>>, %arg17: memref<1x256x1xi32, #tpu.memory_space<vmem>>, %arg18: memref<1x256x256xf32, #tpu.memory_space<vmem>>) attributes {dimension_semantics = [#tpu.dimension_semantics<arbitrary>], iteration_bounds = array<i64: 8>, scalar_prefetch = 0 : i64, scratch_operands = 0 : i64, tpu.core_type = #tpu.core_type<tc>, window_params = [{transform_indices = @transform_0, window_bounds = array<i64: 1, 1024, 256>}, {transform_indices = @transform_1, window_bounds = array<i64: 1, 1024, 256>}, {pipeline_mode = #tpu.pipeline_mode<synchronous>, transform_indices = @transform_2, window_bounds = array<i64: 64, 4>}, {pipeline_mode = #tpu.pipeline_mode<synchronous>, transform_indices = @transform_3, window_bounds = array<i64: 1, 64>}, {pipeline_mode = #tpu.pipeline_mode<synchronous>, transform_indices = @transform_4, window_bounds = array<i64: 128, 64>}, {pipeline_mode = #tpu.pipeline_mode<synchronous>, transform_indices = @transform_5, window_bounds = array<i64: 1, 128>}, {pipeline_mode = #tpu.pipeline_mode<synchronous>, transform_indices = @transform_6, window_bounds = array<i64: 64, 64>}, {pipeline_mode = #tpu.pipeline_mode<synchronous>, transform_indices = @transform_7, window_bounds = array<i64: 1, 64>}, {pipeline_mode = #tpu.pipeline_mode<synchronous>, transform_indices = @transform_8, window_bounds = array<i64: 64, 64>}, {pipeline_mode = #tpu.pipeline_mode<synchronous>, transform_indices = @transform_9, window_bounds = array<i64: 1, 64>}, {pipeline_mode = #tpu.pipeline_mode<synchronous>, transform_indices = @transform_10, window_bounds = array<i64: 64, 64>}, {pipeline_mode = #tpu.pipeline_mode<synchronous>, transform_indices = @transform_11, window_bounds = array<i64: 1, 64>}, {transform_indices = @transform_12, window_bounds = array<i64: 1, 1024, 8>}, {transform_indices = @transform_13, window_bounds = array<i64: 1, 512, 4>}, {transform_indices = @transform_14, window_bounds = array<i64: 1, 256, 2>}, {transform_indices = @transform_15, window_bounds = array<i64: 1, 512, 1>}, {transform_indices = @transform_16, window_bounds = array<i64: 1, 256, 1>}, {transform_indices = @transform_17, window_bounds = array<i64: 1, 256, 256>}]} {
    %get3A = arith.constant 0 : index
    %get3A_0 = arith.constant 0 : index
    %get3A_1 = arith.constant 0 : index
    %get3A_2 = vector.load %arg1[%get3A, %get3A_0, %get3A_1] : memref<1x1024x256xf32, #tpu.memory_space<vmem>>, vector<1x1024x256xf32>
    %get3A_3 = vector.shape_cast %get3A_2 : vector<1x1024x256xf32> to vector<1024x256xf32>
    %get3A_4 = arith.constant 0 : index
    %get3A_5 = arith.constant 0 : index
    %get3A_6 = arith.constant 0 : index
    %get3A_7 = vector.load %arg2[%get3A_4, %get3A_5, %get3A_6] : memref<1x1024x256xf32, #tpu.memory_space<vmem>>, vector<1x1024x256xf32>
    %get3A_8 = vector.shape_cast %get3A_7 : vector<1x1024x256xf32> to vector<1024x256xf32>
    %reduce_sum3A = arith.constant dense<0.000000e+00> : vector<1024xf32>
    %reduce_sum3A_9 = vector.multi_reduction <add>, %get3A_3, %reduce_sum3A [1] : vector<1024x256xf32> to vector<1024xf32>
    %broadcast_in_dim3A = vector.shape_cast %reduce_sum3A_9 : vector<1024xf32> to vector<1024x1xf32>
    %div3A = arith.constant 2.560000e+02 : f32
    %div3A_10 = vector.broadcast %div3A : f32 to vector<1024x1xf32>
    %div3A_11 = arith.divf %broadcast_in_dim3A, %div3A_10 : vector<1024x1xf32>
    %sub3A = vector.broadcast %div3A_11 : vector<1024x1xf32> to vector<1024x256xf32>
    %sub3A_12 = arith.subf %get3A_3, %sub3A : vector<1024x256xf32>
    %integer_pow3A = arith.mulf %sub3A_12, %sub3A_12 : vector<1024x256xf32>
    %reduce_sum3A_13 = arith.constant dense<0.000000e+00> : vector<1024xf32>
    %reduce_sum3A_14 = vector.multi_reduction <add>, %integer_pow3A, %reduce_sum3A_13 [1] : vector<1024x256xf32> to vector<1024xf32>
    %broadcast_in_dim3A_15 = vector.shape_cast %reduce_sum3A_14 : vector<1024xf32> to vector<1024x1xf32>
    %mul3A = arith.constant 0.00392156886 : f32
    %mul3A_16 = vector.broadcast %mul3A : f32 to vector<1024x1xf32>
    %mul3A_17 = arith.mulf %broadcast_in_dim3A_15, %mul3A_16 : vector<1024x1xf32>
    %sqrt3A = math.sqrt %mul3A_17 : vector<1024x1xf32>
    %add3A = arith.constant 1.000000e-10 : f32
    %add3A_18 = vector.broadcast %add3A : f32 to vector<1024x1xf32>
    %add3A_19 = arith.addf %sqrt3A, %add3A_18 : vector<1024x1xf32>
    %div3A_20 = arith.constant 1.000000e+00 : f32
    %div3A_21 = vector.broadcast %div3A_20 : f32 to vector<1024x1xf32>
    %div3A_22 = arith.divf %div3A_21, %add3A_19 : vector<1024x1xf32>
    %reduce_sum3A_23 = arith.constant dense<0.000000e+00> : vector<1024xf32>
    %reduce_sum3A_24 = vector.multi_reduction <add>, %get3A_8, %reduce_sum3A_23 [1] : vector<1024x256xf32> to vector<1024xf32>
    %broadcast_in_dim3A_25 = vector.shape_cast %reduce_sum3A_24 : vector<1024xf32> to vector<1024x1xf32>
    %div3A_26 = arith.constant 2.560000e+02 : f32
    %div3A_27 = vector.broadcast %div3A_26 : f32 to vector<1024x1xf32>
    %div3A_28 = arith.divf %broadcast_in_dim3A_25, %div3A_27 : vector<1024x1xf32>
    %sub3A_29 = vector.broadcast %div3A_28 : vector<1024x1xf32> to vector<1024x256xf32>
    %sub3A_30 = arith.subf %get3A_8, %sub3A_29 : vector<1024x256xf32>
    %integer_pow3A_31 = arith.mulf %sub3A_30, %sub3A_30 : vector<1024x256xf32>
    %reduce_sum3A_32 = arith.constant dense<0.000000e+00> : vector<1024xf32>
    %reduce_sum3A_33 = vector.multi_reduction <add>, %integer_pow3A_31, %reduce_sum3A_32 [1] : vector<1024x256xf32> to vector<1024xf32>
    %broadcast_in_dim3A_34 = vector.shape_cast %reduce_sum3A_33 : vector<1024xf32> to vector<1024x1xf32>
    %mul3A_35 = arith.constant 0.00392156886 : f32
    %mul3A_36 = vector.broadcast %mul3A_35 : f32 to vector<1024x1xf32>
    %mul3A_37 = arith.mulf %broadcast_in_dim3A_34, %mul3A_36 : vector<1024x1xf32>
    %sqrt3A_38 = math.sqrt %mul3A_37 : vector<1024x1xf32>
    %add3A_39 = arith.constant 1.000000e-10 : f32
    %add3A_40 = vector.broadcast %add3A_39 : f32 to vector<1024x1xf32>
    %add3A_41 = arith.addf %sqrt3A_38, %add3A_40 : vector<1024x1xf32>
    %div3A_42 = arith.constant 1.000000e+00 : f32
    %div3A_43 = vector.broadcast %div3A_42 : f32 to vector<1024x1xf32>
    %div3A_44 = arith.divf %div3A_43, %add3A_41 : vector<1024x1xf32>
    %concatenate3A = tpu.concatenate %div3A_11, %div3A_22, %div3A_28, %div3A_44 in 1 : vector<1024x1xf32>, vector<1024x1xf32>, vector<1024x1xf32>, vector<1024x1xf32> -> vector<1024x4xf32>
    %reduce_sum3A_45 = arith.constant dense<0.000000e+00> : vector<4xf32>
    %reduce_sum3A_46 = vector.multi_reduction <add>, %concatenate3A, %reduce_sum3A_45 [0] : vector<1024x4xf32> to vector<4xf32>
    %broadcast_in_dim3A_47 = vector.shape_cast %reduce_sum3A_46 : vector<4xf32> to vector<1x4xf32>
    %div3A_48 = arith.constant 1.024000e+03 : f32
    %div3A_49 = vector.broadcast %div3A_48 : f32 to vector<1x4xf32>
    %div3A_50 = arith.divf %broadcast_in_dim3A_47, %div3A_49 : vector<1x4xf32>
    %sub3A_51 = vector.broadcast %div3A_50 : vector<1x4xf32> to vector<1024x4xf32>
    %sub3A_52 = arith.subf %concatenate3A, %sub3A_51 : vector<1024x4xf32>
    %integer_pow3A_53 = arith.mulf %sub3A_52, %sub3A_52 : vector<1024x4xf32>
    %reduce_sum3A_54 = arith.constant dense<0.000000e+00> : vector<4xf32>
    %reduce_sum3A_55 = vector.multi_reduction <add>, %integer_pow3A_53, %reduce_sum3A_54 [0] : vector<1024x4xf32> to vector<4xf32>
    %broadcast_in_dim3A_56 = vector.shape_cast %reduce_sum3A_55 : vector<4xf32> to vector<1x4xf32>
    %mul3A_57 = arith.constant 9.77517105E-4 : f32
    %mul3A_58 = vector.broadcast %mul3A_57 : f32 to vector<1x4xf32>
    %mul3A_59 = arith.mulf %broadcast_in_dim3A_56, %mul3A_58 : vector<1x4xf32>
    %sqrt3A_60 = math.sqrt %mul3A_59 : vector<1x4xf32>
    %sub3A_61 = vector.broadcast %div3A_50 : vector<1x4xf32> to vector<1024x4xf32>
    %sub3A_62 = arith.subf %concatenate3A, %sub3A_61 : vector<1024x4xf32>
    %add3A_63 = arith.constant 1.000000e-10 : f32
    %add3A_64 = vector.broadcast %add3A_63 : f32 to vector<1x4xf32>
    %add3A_65 = arith.addf %sqrt3A_60, %add3A_64 : vector<1x4xf32>
    %div3A_66 = vector.broadcast %add3A_65 : vector<1x4xf32> to vector<1024x4xf32>
    %div3A_67 = arith.divf %sub3A_62, %div3A_66 : vector<1024x4xf32>
    %get3A_68 = arith.constant 0 : index
    %get3A_69 = arith.constant 0 : index
    %get3A_70 = vector.load %arg3[%get3A_68, %get3A_69] : memref<64x4xf32, #tpu.memory_space<vmem>>, vector<64x4xf32>
    %dot_general3A = arith.constant dense<0.000000e+00> : vector<1024x64xf32>
    %dot_general3A_71 = tpu.matmul %div3A_67, %get3A_70, %dot_general3A {dimension_numbers = #tpu.dot_dimension_numbers<[1], [1], [0], [0], [0, 0, 1, 0], [], []>, precision = #tpu.contract_precision<fp32>, transpose_lhs_hint = false} : vector<1024x4xf32>, vector<64x4xf32>, vector<1024x64xf32> -> vector<1024x64xf32>
    %get3A_72 = arith.constant 0 : index
    %get3A_73 = arith.constant 0 : index
    %get3A_74 = vector.load %arg4[%get3A_72, %get3A_73] : memref<1x64xf32, #tpu.memory_space<vmem>>, vector<1x64xf32>
    %add3A_75 = vector.broadcast %get3A_74 : vector<1x64xf32> to vector<1024x64xf32>
    %add3A_76 = arith.addf %dot_general3A_71, %add3A_75 : vector<1024x64xf32>
    %get3A_77 = arith.constant 0 : index
    %get3A_78 = arith.constant 0 : index
    %get3A_79 = arith.constant 0 : index
    %get3A_80 = vector.load %arg13[%get3A_77, %get3A_78, %get3A_79] : memref<1x1024x8xi32, #tpu.memory_space<vmem>>, vector<1x1024x8xi32>
    %get3A_81 = vector.shape_cast %get3A_80 : vector<1x1024x8xi32> to vector<1024x8xi32>
    %get3A_82 = arith.constant 0 : index
    %get3A_83 = arith.constant 0 : index
    %get3A_84 = vector.load %arg7[%get3A_82, %get3A_83] : memref<64x64xf32, #tpu.memory_space<vmem>>, vector<64x64xf32>
    %get3A_85 = arith.constant 0 : index
    %get3A_86 = arith.constant 0 : index
    %get3A_87 = vector.load %arg8[%get3A_85, %get3A_86] : memref<1x64xf32, #tpu.memory_space<vmem>>, vector<1x64xf32>
    %dot_general3A_88 = arith.constant dense<0.000000e+00> : vector<1024x64xf32>
    %dot_general3A_89 = tpu.matmul %add3A_76, %get3A_84, %dot_general3A_88 {dimension_numbers = #tpu.dot_dimension_numbers<[1], [1], [0], [0], [0, 0, 1, 0], [], []>, precision = #tpu.contract_precision<fp32>, transpose_lhs_hint = false} : vector<1024x64xf32>, vector<64x64xf32>, vector<1024x64xf32> -> vector<1024x64xf32>
    %iota3A = tpu.iota {dimensions = array<i32: 1>} : vector<1024x1024xi32>
    %broadcast_in_dim3A_90 = arith.constant 0.000000e+00 : f32
    %broadcast_in_dim3A_91 = vector.broadcast %broadcast_in_dim3A_90 : f32 to vector<1024x1024xf32>
    %slice3A = vector.extract_strided_slice %get3A_81 {offsets = [0, 0], sizes = [1024, 1], strides = [1, 1]} : vector<1024x8xi32> to vector<1024x1xi32>
    %eq3A = vector.broadcast %slice3A : vector<1024x1xi32> to vector<1024x1024xi32>
    %eq3A_92 = arith.cmpi eq, %eq3A, %iota3A : vector<1024x1024xi32>
    %convert_element_type3A = arith.extui %eq3A_92 : vector<1024x1024xi1> to vector<1024x1024xi32>
    %convert_element_type3A_93 = arith.sitofp %convert_element_type3A : vector<1024x1024xi32> to vector<1024x1024xf32>
    %add3A_94 = arith.addf %broadcast_in_dim3A_91, %convert_element_type3A_93 : vector<1024x1024xf32>
    %slice3A_95 = vector.extract_strided_slice %get3A_81 {offsets = [0, 1], sizes = [1024, 1], strides = [1, 1]} : vector<1024x8xi32> to vector<1024x1xi32>
    %eq3A_96 = vector.broadcast %slice3A_95 : vector<1024x1xi32> to vector<1024x1024xi32>
    %eq3A_97 = arith.cmpi eq, %eq3A_96, %iota3A : vector<1024x1024xi32>
    %convert_element_type3A_98 = arith.extui %eq3A_97 : vector<1024x1024xi1> to vector<1024x1024xi32>
    %convert_element_type3A_99 = arith.sitofp %convert_element_type3A_98 : vector<1024x1024xi32> to vector<1024x1024xf32>
    %add3A_100 = arith.addf %add3A_94, %convert_element_type3A_99 : vector<1024x1024xf32>
    %slice3A_101 = vector.extract_strided_slice %get3A_81 {offsets = [0, 2], sizes = [1024, 1], strides = [1, 1]} : vector<1024x8xi32> to vector<1024x1xi32>
    %eq3A_102 = vector.broadcast %slice3A_101 : vector<1024x1xi32> to vector<1024x1024xi32>
    %eq3A_103 = arith.cmpi eq, %eq3A_102, %iota3A : vector<1024x1024xi32>
    %convert_element_type3A_104 = arith.extui %eq3A_103 : vector<1024x1024xi1> to vector<1024x1024xi32>
    %convert_element_type3A_105 = arith.sitofp %convert_element_type3A_104 : vector<1024x1024xi32> to vector<1024x1024xf32>
    %add3A_106 = arith.addf %add3A_100, %convert_element_type3A_105 : vector<1024x1024xf32>
    %slice3A_107 = vector.extract_strided_slice %get3A_81 {offsets = [0, 3], sizes = [1024, 1], strides = [1, 1]} : vector<1024x8xi32> to vector<1024x1xi32>
    %eq3A_108 = vector.broadcast %slice3A_107 : vector<1024x1xi32> to vector<1024x1024xi32>
    %eq3A_109 = arith.cmpi eq, %eq3A_108, %iota3A : vector<1024x1024xi32>
    %convert_element_type3A_110 = arith.extui %eq3A_109 : vector<1024x1024xi1> to vector<1024x1024xi32>
    %convert_element_type3A_111 = arith.sitofp %convert_element_type3A_110 : vector<1024x1024xi32> to vector<1024x1024xf32>
    %add3A_112 = arith.addf %add3A_106, %convert_element_type3A_111 : vector<1024x1024xf32>
    %slice3A_113 = vector.extract_strided_slice %get3A_81 {offsets = [0, 4], sizes = [1024, 1], strides = [1, 1]} : vector<1024x8xi32> to vector<1024x1xi32>
    %eq3A_114 = vector.broadcast %slice3A_113 : vector<1024x1xi32> to vector<1024x1024xi32>
    %eq3A_115 = arith.cmpi eq, %eq3A_114, %iota3A : vector<1024x1024xi32>
    %convert_element_type3A_116 = arith.extui %eq3A_115 : vector<1024x1024xi1> to vector<1024x1024xi32>
    %convert_element_type3A_117 = arith.sitofp %convert_element_type3A_116 : vector<1024x1024xi32> to vector<1024x1024xf32>
    %add3A_118 = arith.addf %add3A_112, %convert_element_type3A_117 : vector<1024x1024xf32>
    %slice3A_119 = vector.extract_strided_slice %get3A_81 {offsets = [0, 5], sizes = [1024, 1], strides = [1, 1]} : vector<1024x8xi32> to vector<1024x1xi32>
    %eq3A_120 = vector.broadcast %slice3A_119 : vector<1024x1xi32> to vector<1024x1024xi32>
    %eq3A_121 = arith.cmpi eq, %eq3A_120, %iota3A : vector<1024x1024xi32>
    %convert_element_type3A_122 = arith.extui %eq3A_121 : vector<1024x1024xi1> to vector<1024x1024xi32>
    %convert_element_type3A_123 = arith.sitofp %convert_element_type3A_122 : vector<1024x1024xi32> to vector<1024x1024xf32>
    %add3A_124 = arith.addf %add3A_118, %convert_element_type3A_123 : vector<1024x1024xf32>
    %slice3A_125 = vector.extract_strided_slice %get3A_81 {offsets = [0, 6], sizes = [1024, 1], strides = [1, 1]} : vector<1024x8xi32> to vector<1024x1xi32>
    %eq3A_126 = vector.broadcast %slice3A_125 : vector<1024x1xi32> to vector<1024x1024xi32>
    %eq3A_127 = arith.cmpi eq, %eq3A_126, %iota3A : vector<1024x1024xi32>
    %convert_element_type3A_128 = arith.extui %eq3A_127 : vector<1024x1024xi1> to vector<1024x1024xi32>
    %convert_element_type3A_129 = arith.sitofp %convert_element_type3A_128 : vector<1024x1024xi32> to vector<1024x1024xf32>
    %add3A_130 = arith.addf %add3A_124, %convert_element_type3A_129 : vector<1024x1024xf32>
    %slice3A_131 = vector.extract_strided_slice %get3A_81 {offsets = [0, 7], sizes = [1024, 1], strides = [1, 1]} : vector<1024x8xi32> to vector<1024x1xi32>
    %eq3A_132 = vector.broadcast %slice3A_131 : vector<1024x1xi32> to vector<1024x1024xi32>
    %eq3A_133 = arith.cmpi eq, %eq3A_132, %iota3A : vector<1024x1024xi32>
    %convert_element_type3A_134 = arith.extui %eq3A_133 : vector<1024x1024xi1> to vector<1024x1024xi32>
    %convert_element_type3A_135 = arith.sitofp %convert_element_type3A_134 : vector<1024x1024xi32> to vector<1024x1024xf32>
    %add3A_136 = arith.addf %add3A_130, %convert_element_type3A_135 : vector<1024x1024xf32>
    %dot_general3A_137 = arith.constant dense<0.000000e+00> : vector<1024x64xf32>
    %dot_general3A_138 = tpu.matmul %add3A_136, %dot_general3A_89, %dot_general3A_137 {dimension_numbers = #tpu.dot_dimension_numbers<[1], [0], [0], [1], [0, 0, 1, 1], [], []>, precision = #tpu.contract_precision<fp32>, transpose_lhs_hint = false} : vector<1024x1024xf32>, vector<1024x64xf32>, vector<1024x64xf32> -> vector<1024x64xf32>
    %add3A_139 = arith.addf %dot_general3A_138, %dot_general3A_89 : vector<1024x64xf32>
    %mul3A_140 = arith.constant 0.111111112 : f32
    %mul3A_141 = vector.broadcast %mul3A_140 : f32 to vector<1024x64xf32>
    %mul3A_142 = arith.mulf %add3A_139, %mul3A_141 : vector<1024x64xf32>
    %add3A_143 = vector.broadcast %get3A_87 : vector<1x64xf32> to vector<1024x64xf32>
    %add3A_144 = arith.addf %mul3A_142, %add3A_143 : vector<1024x64xf32>
    %ge3A = arith.constant 0.000000e+00 : f32
    %ge3A_145 = vector.broadcast %ge3A : f32 to vector<1024x64xf32>
    %ge3A_146 = arith.cmpf oge, %add3A_144, %ge3A_145 : vector<1024x64xf32>
    %mul3A_147 = arith.constant 0.00999999977 : f32
    %mul3A_148 = vector.broadcast %mul3A_147 : f32 to vector<1024x64xf32>
    %mul3A_149 = arith.mulf %mul3A_148, %add3A_144 : vector<1024x64xf32>
    %select_n3A = arith.select %ge3A_146, %add3A_144, %mul3A_149 : vector<1024x64xi1>, vector<1024x64xf32>
    %get3A_150 = arith.constant 0 : index
    %get3A_151 = arith.constant 0 : index
    %get3A_152 = arith.constant 0 : index
    %get3A_153 = vector.load %arg16[%get3A_150, %get3A_151, %get3A_152] : memref<1x512x1xi32, #tpu.memory_space<vmem>>, vector<1x512x1xi32>
    %get3A_154 = vector.shape_cast %get3A_153 : vector<1x512x1xi32> to vector<512x1xi32>
    %iota3A_155 = tpu.iota {dimensions = array<i32: 1>} : vector<512x1024xi32>
    %eq3A_156 = vector.broadcast %get3A_154 : vector<512x1xi32> to vector<512x1024xi32>
    %eq3A_157 = arith.cmpi eq, %eq3A_156, %iota3A_155 : vector<512x1024xi32>
    %convert_element_type3A_158 = arith.extui %eq3A_157 : vector<512x1024xi1> to vector<512x1024xi32>
    %convert_element_type3A_159 = arith.sitofp %convert_element_type3A_158 : vector<512x1024xi32> to vector<512x1024xf32>
    %dot_general3A_160 = arith.constant dense<0.000000e+00> : vector<512x64xf32>
    %dot_general3A_161 = tpu.matmul %convert_element_type3A_159, %select_n3A, %dot_general3A_160 {dimension_numbers = #tpu.dot_dimension_numbers<[1], [0], [0], [1], [0, 0, 1, 1], [], []>, precision = #tpu.contract_precision<fp32>, transpose_lhs_hint = false} : vector<512x1024xf32>, vector<1024x64xf32>, vector<512x64xf32> -> vector<512x64xf32>
    %get3A_162 = arith.constant 0 : index
    %get3A_163 = arith.constant 0 : index
    %get3A_164 = arith.constant 0 : index
    %get3A_165 = vector.load %arg14[%get3A_162, %get3A_163, %get3A_164] : memref<1x512x4xi32, #tpu.memory_space<vmem>>, vector<1x512x4xi32>
    %get3A_166 = vector.shape_cast %get3A_165 : vector<1x512x4xi32> to vector<512x4xi32>
    %get3A_167 = arith.constant 0 : index
    %get3A_168 = arith.constant 0 : index
    %get3A_169 = vector.load %arg9[%get3A_167, %get3A_168] : memref<64x64xf32, #tpu.memory_space<vmem>>, vector<64x64xf32>
    %get3A_170 = arith.constant 0 : index
    %get3A_171 = arith.constant 0 : index
    %get3A_172 = vector.load %arg10[%get3A_170, %get3A_171] : memref<1x64xf32, #tpu.memory_space<vmem>>, vector<1x64xf32>
    %dot_general3A_173 = arith.constant dense<0.000000e+00> : vector<512x64xf32>
    %dot_general3A_174 = tpu.matmul %dot_general3A_161, %get3A_169, %dot_general3A_173 {dimension_numbers = #tpu.dot_dimension_numbers<[1], [1], [0], [0], [0, 0, 1, 0], [], []>, precision = #tpu.contract_precision<fp32>, transpose_lhs_hint = false} : vector<512x64xf32>, vector<64x64xf32>, vector<512x64xf32> -> vector<512x64xf32>
    %iota3A_175 = tpu.iota {dimensions = array<i32: 1>} : vector<512x512xi32>
    %broadcast_in_dim3A_176 = arith.constant 0.000000e+00 : f32
    %broadcast_in_dim3A_177 = vector.broadcast %broadcast_in_dim3A_176 : f32 to vector<512x512xf32>
    %slice3A_178 = vector.extract_strided_slice %get3A_166 {offsets = [0, 0], sizes = [512, 1], strides = [1, 1]} : vector<512x4xi32> to vector<512x1xi32>
    %eq3A_179 = vector.broadcast %slice3A_178 : vector<512x1xi32> to vector<512x512xi32>
    %eq3A_180 = arith.cmpi eq, %eq3A_179, %iota3A_175 : vector<512x512xi32>
    %convert_element_type3A_181 = arith.extui %eq3A_180 : vector<512x512xi1> to vector<512x512xi32>
    %convert_element_type3A_182 = arith.sitofp %convert_element_type3A_181 : vector<512x512xi32> to vector<512x512xf32>
    %add3A_183 = arith.addf %broadcast_in_dim3A_177, %convert_element_type3A_182 : vector<512x512xf32>
    %slice3A_184 = vector.extract_strided_slice %get3A_166 {offsets = [0, 1], sizes = [512, 1], strides = [1, 1]} : vector<512x4xi32> to vector<512x1xi32>
    %eq3A_185 = vector.broadcast %slice3A_184 : vector<512x1xi32> to vector<512x512xi32>
    %eq3A_186 = arith.cmpi eq, %eq3A_185, %iota3A_175 : vector<512x512xi32>
    %convert_element_type3A_187 = arith.extui %eq3A_186 : vector<512x512xi1> to vector<512x512xi32>
    %convert_element_type3A_188 = arith.sitofp %convert_element_type3A_187 : vector<512x512xi32> to vector<512x512xf32>
    %add3A_189 = arith.addf %add3A_183, %convert_element_type3A_188 : vector<512x512xf32>
    %slice3A_190 = vector.extract_strided_slice %get3A_166 {offsets = [0, 2], sizes = [512, 1], strides = [1, 1]} : vector<512x4xi32> to vector<512x1xi32>
    %eq3A_191 = vector.broadcast %slice3A_190 : vector<512x1xi32> to vector<512x512xi32>
    %eq3A_192 = arith.cmpi eq, %eq3A_191, %iota3A_175 : vector<512x512xi32>
    %convert_element_type3A_193 = arith.extui %eq3A_192 : vector<512x512xi1> to vector<512x512xi32>
    %convert_element_type3A_194 = arith.sitofp %convert_element_type3A_193 : vector<512x512xi32> to vector<512x512xf32>
    %add3A_195 = arith.addf %add3A_189, %convert_element_type3A_194 : vector<512x512xf32>
    %slice3A_196 = vector.extract_strided_slice %get3A_166 {offsets = [0, 3], sizes = [512, 1], strides = [1, 1]} : vector<512x4xi32> to vector<512x1xi32>
    %eq3A_197 = vector.broadcast %slice3A_196 : vector<512x1xi32> to vector<512x512xi32>
    %eq3A_198 = arith.cmpi eq, %eq3A_197, %iota3A_175 : vector<512x512xi32>
    %convert_element_type3A_199 = arith.extui %eq3A_198 : vector<512x512xi1> to vector<512x512xi32>
    %convert_element_type3A_200 = arith.sitofp %convert_element_type3A_199 : vector<512x512xi32> to vector<512x512xf32>
    %add3A_201 = arith.addf %add3A_195, %convert_element_type3A_200 : vector<512x512xf32>
    %dot_general3A_202 = arith.constant dense<0.000000e+00> : vector<512x64xf32>
    %dot_general3A_203 = tpu.matmul %add3A_201, %dot_general3A_174, %dot_general3A_202 {dimension_numbers = #tpu.dot_dimension_numbers<[1], [0], [0], [1], [0, 0, 1, 1], [], []>, precision = #tpu.contract_precision<fp32>, transpose_lhs_hint = false} : vector<512x512xf32>, vector<512x64xf32>, vector<512x64xf32> -> vector<512x64xf32>
    %add3A_204 = arith.addf %dot_general3A_203, %dot_general3A_174 : vector<512x64xf32>
    %mul3A_205 = arith.constant 2.000000e-01 : f32
    %mul3A_206 = vector.broadcast %mul3A_205 : f32 to vector<512x64xf32>
    %mul3A_207 = arith.mulf %add3A_204, %mul3A_206 : vector<512x64xf32>
    %add3A_208 = vector.broadcast %get3A_172 : vector<1x64xf32> to vector<512x64xf32>
    %add3A_209 = arith.addf %mul3A_207, %add3A_208 : vector<512x64xf32>
    %ge3A_210 = arith.constant 0.000000e+00 : f32
    %ge3A_211 = vector.broadcast %ge3A_210 : f32 to vector<512x64xf32>
    %ge3A_212 = arith.cmpf oge, %add3A_209, %ge3A_211 : vector<512x64xf32>
    %mul3A_213 = arith.constant 0.00999999977 : f32
    %mul3A_214 = vector.broadcast %mul3A_213 : f32 to vector<512x64xf32>
    %mul3A_215 = arith.mulf %mul3A_214, %add3A_209 : vector<512x64xf32>
    %select_n3A_216 = arith.select %ge3A_212, %add3A_209, %mul3A_215 : vector<512x64xi1>, vector<512x64xf32>
    %get3A_217 = arith.constant 0 : index
    %get3A_218 = arith.constant 0 : index
    %get3A_219 = arith.constant 0 : index
    %get3A_220 = vector.load %arg17[%get3A_217, %get3A_218, %get3A_219] : memref<1x256x1xi32, #tpu.memory_space<vmem>>, vector<1x256x1xi32>
    %get3A_221 = vector.shape_cast %get3A_220 : vector<1x256x1xi32> to vector<256x1xi32>
    %iota3A_222 = tpu.iota {dimensions = array<i32: 1>} : vector<256x512xi32>
    %eq3A_223 = vector.broadcast %get3A_221 : vector<256x1xi32> to vector<256x512xi32>
    %eq3A_224 = arith.cmpi eq, %eq3A_223, %iota3A_222 : vector<256x512xi32>
    %convert_element_type3A_225 = arith.extui %eq3A_224 : vector<256x512xi1> to vector<256x512xi32>
    %convert_element_type3A_226 = arith.sitofp %convert_element_type3A_225 : vector<256x512xi32> to vector<256x512xf32>
    %dot_general3A_227 = arith.constant dense<0.000000e+00> : vector<256x64xf32>
    %dot_general3A_228 = tpu.matmul %convert_element_type3A_226, %select_n3A_216, %dot_general3A_227 {dimension_numbers = #tpu.dot_dimension_numbers<[1], [0], [0], [1], [0, 0, 1, 1], [], []>, precision = #tpu.contract_precision<fp32>, transpose_lhs_hint = false} : vector<256x512xf32>, vector<512x64xf32>, vector<256x64xf32> -> vector<256x64xf32>
    %get3A_229 = arith.constant 0 : index
    %get3A_230 = arith.constant 0 : index
    %get3A_231 = arith.constant 0 : index
    %get3A_232 = vector.load %arg15[%get3A_229, %get3A_230, %get3A_231] : memref<1x256x2xi32, #tpu.memory_space<vmem>>, vector<1x256x2xi32>
    %get3A_233 = vector.shape_cast %get3A_232 : vector<1x256x2xi32> to vector<256x2xi32>
    %get3A_234 = arith.constant 0 : index
    %get3A_235 = arith.constant 0 : index
    %get3A_236 = vector.load %arg11[%get3A_234, %get3A_235] : memref<64x64xf32, #tpu.memory_space<vmem>>, vector<64x64xf32>
    %get3A_237 = arith.constant 0 : index
    %get3A_238 = arith.constant 0 : index
    %get3A_239 = vector.load %arg12[%get3A_237, %get3A_238] : memref<1x64xf32, #tpu.memory_space<vmem>>, vector<1x64xf32>
    %dot_general3A_240 = arith.constant dense<0.000000e+00> : vector<256x64xf32>
    %dot_general3A_241 = tpu.matmul %dot_general3A_228, %get3A_236, %dot_general3A_240 {dimension_numbers = #tpu.dot_dimension_numbers<[1], [1], [0], [0], [0, 0, 1, 0], [], []>, precision = #tpu.contract_precision<fp32>, transpose_lhs_hint = false} : vector<256x64xf32>, vector<64x64xf32>, vector<256x64xf32> -> vector<256x64xf32>
    %iota3A_242 = tpu.iota {dimensions = array<i32: 1>} : vector<256x256xi32>
    %broadcast_in_dim3A_243 = arith.constant 0.000000e+00 : f32
    %broadcast_in_dim3A_244 = vector.broadcast %broadcast_in_dim3A_243 : f32 to vector<256x256xf32>
    %slice3A_245 = vector.extract_strided_slice %get3A_233 {offsets = [0, 0], sizes = [256, 1], strides = [1, 1]} : vector<256x2xi32> to vector<256x1xi32>
    %eq3A_246 = vector.broadcast %slice3A_245 : vector<256x1xi32> to vector<256x256xi32>
    %eq3A_247 = arith.cmpi eq, %eq3A_246, %iota3A_242 : vector<256x256xi32>
    %convert_element_type3A_248 = arith.extui %eq3A_247 : vector<256x256xi1> to vector<256x256xi32>
    %convert_element_type3A_249 = arith.sitofp %convert_element_type3A_248 : vector<256x256xi32> to vector<256x256xf32>
    %add3A_250 = arith.addf %broadcast_in_dim3A_244, %convert_element_type3A_249 : vector<256x256xf32>
    %slice3A_251 = vector.extract_strided_slice %get3A_233 {offsets = [0, 1], sizes = [256, 1], strides = [1, 1]} : vector<256x2xi32> to vector<256x1xi32>
    %eq3A_252 = vector.broadcast %slice3A_251 : vector<256x1xi32> to vector<256x256xi32>
    %eq3A_253 = arith.cmpi eq, %eq3A_252, %iota3A_242 : vector<256x256xi32>
    %convert_element_type3A_254 = arith.extui %eq3A_253 : vector<256x256xi1> to vector<256x256xi32>
    %convert_element_type3A_255 = arith.sitofp %convert_element_type3A_254 : vector<256x256xi32> to vector<256x256xf32>
    %add3A_256 = arith.addf %add3A_250, %convert_element_type3A_255 : vector<256x256xf32>
    %dot_general3A_257 = arith.constant dense<0.000000e+00> : vector<256x64xf32>
    %dot_general3A_258 = tpu.matmul %add3A_256, %dot_general3A_241, %dot_general3A_257 {dimension_numbers = #tpu.dot_dimension_numbers<[1], [0], [0], [1], [0, 0, 1, 1], [], []>, precision = #tpu.contract_precision<fp32>, transpose_lhs_hint = false} : vector<256x256xf32>, vector<256x64xf32>, vector<256x64xf32> -> vector<256x64xf32>
    %add3A_259 = arith.addf %dot_general3A_258, %dot_general3A_241 : vector<256x64xf32>
    %mul3A_260 = arith.constant 0.333333343 : f32
    %mul3A_261 = vector.broadcast %mul3A_260 : f32 to vector<256x64xf32>
    %mul3A_262 = arith.mulf %add3A_259, %mul3A_261 : vector<256x64xf32>
    %add3A_263 = vector.broadcast %get3A_239 : vector<1x64xf32> to vector<256x64xf32>
    %add3A_264 = arith.addf %mul3A_262, %add3A_263 : vector<256x64xf32>
    %ge3A_265 = arith.constant 0.000000e+00 : f32
    %ge3A_266 = vector.broadcast %ge3A_265 : f32 to vector<256x64xf32>
    %ge3A_267 = arith.cmpf oge, %add3A_264, %ge3A_266 : vector<256x64xf32>
    %mul3A_268 = arith.constant 0.00999999977 : f32
    %mul3A_269 = vector.broadcast %mul3A_268 : f32 to vector<256x64xf32>
    %mul3A_270 = arith.mulf %mul3A_269, %add3A_264 : vector<256x64xf32>
    %select_n3A_271 = arith.select %ge3A_267, %add3A_264, %mul3A_270 : vector<256x64xi1>, vector<256x64xf32>
    %get3A_272 = arith.constant 0 : index
    %get3A_273 = arith.constant 0 : index
    %get3A_274 = vector.load %arg5[%get3A_272, %get3A_273] : memref<128x64xf32, #tpu.memory_space<vmem>>, vector<128x64xf32>
    %dot_general3A_275 = arith.constant dense<0.000000e+00> : vector<256x128xf32>
    %dot_general3A_276 = tpu.matmul %select_n3A_271, %get3A_274, %dot_general3A_275 {dimension_numbers = #tpu.dot_dimension_numbers<[1], [1], [0], [0], [0, 0, 1, 0], [], []>, precision = #tpu.contract_precision<fp32>, transpose_lhs_hint = false} : vector<256x64xf32>, vector<128x64xf32>, vector<256x128xf32> -> vector<256x128xf32>
    %get3A_277 = arith.constant 0 : index
    %get3A_278 = arith.constant 0 : index
    %get3A_279 = vector.load %arg6[%get3A_277, %get3A_278] : memref<1x128xf32, #tpu.memory_space<vmem>>, vector<1x128xf32>
    %add3A_280 = vector.broadcast %get3A_279 : vector<1x128xf32> to vector<256x128xf32>
    %add3A_281 = arith.addf %dot_general3A_276, %add3A_280 : vector<256x128xf32>
    %dot_general3A_282 = arith.constant dense<0.000000e+00> : vector<256x256xf32>
    %dot_general3A_283 = tpu.matmul %add3A_281, %add3A_281, %dot_general3A_282 {dimension_numbers = #tpu.dot_dimension_numbers<[1], [1], [0], [0], [0, 0, 1, 0], [], []>, precision = #tpu.contract_precision<fp32>, transpose_lhs_hint = false} : vector<256x128xf32>, vector<256x128xf32>, vector<256x256xf32> -> vector<256x256xf32>
    %logistic3A = arith.negf %dot_general3A_283 : vector<256x256xf32>
    %logistic3A_284 = math.exp %logistic3A : vector<256x256xf32>
    %logistic3A_285 = arith.constant 1.000000e+00 : f32
    %logistic3A_286 = vector.broadcast %logistic3A_285 : f32 to vector<256x256xf32>
    %logistic3A_287 = arith.addf %logistic3A_286, %logistic3A_284 : vector<256x256xf32>
    %logistic3A_288 = arith.divf %logistic3A_286, %logistic3A_287 : vector<256x256xf32>
    %swap3A = arith.constant 0 : index
    %swap3A_289 = arith.constant 0 : index
    %swap3A_290 = arith.constant 0 : index
    %swap3A_291 = vector.load %arg18[%swap3A, %swap3A_289, %swap3A_290] : memref<1x256x256xf32, #tpu.memory_space<vmem>>, vector<1x256x256xf32>
    %swap3A_292 = vector.shape_cast %swap3A_291 : vector<1x256x256xf32> to vector<256x256xf32>
    %swap3A_293 = vector.shape_cast %logistic3A_288 : vector<256x256xf32> to vector<1x256x256xf32>
    tpu.vector_store %arg18[%swap3A, %swap3A_289, %swap3A_290], %swap3A_293 {strides = array<i32>} : memref<1x256x256xf32, #tpu.memory_space<vmem>>, vector<1x256x256xf32>,
    return
  }
  func.func @transform_0(%arg0: i32) -> (i32, i32, i32) {
    %c0_i32 = arith.constant 0 : i32
    %c0_i32_0 = arith.constant 0 : i32
    %c0_i32_1 = arith.constant 0 : i32
    return %arg0, %c0_i32, %c0_i32_0 : i32, i32, i32
  }
  func.func @transform_1(%arg0: i32) -> (i32, i32, i32) {
    %c0_i32 = arith.constant 0 : i32
    %c0_i32_0 = arith.constant 0 : i32
    %c0_i32_1 = arith.constant 0 : i32
    return %arg0, %c0_i32, %c0_i32_0 : i32, i32, i32
  }
  func.func @transform_2(%arg0: i32) -> (i32, i32) {
    %c0_i32 = arith.constant 0 : i32
    %c0_i32_0 = arith.constant 0 : i32
    %c0_i32_1 = arith.constant 0 : i32
    return %c0_i32, %c0_i32_0 : i32, i32
  }
  func.func @transform_3(%arg0: i32) -> (i32, i32) {
    %c0_i32 = arith.constant 0 : i32
    %c0_i32_0 = arith.constant 0 : i32
    %c0_i32_1 = arith.constant 0 : i32
    return %c0_i32, %c0_i32_0 : i32, i32
  }
  func.func @transform_4(%arg0: i32) -> (i32, i32) {
    %c0_i32 = arith.constant 0 : i32
    %c0_i32_0 = arith.constant 0 : i32
    %c0_i32_1 = arith.constant 0 : i32
    return %c0_i32, %c0_i32_0 : i32, i32
  }
  func.func @transform_5(%arg0: i32) -> (i32, i32) {
    %c0_i32 = arith.constant 0 : i32
    %c0_i32_0 = arith.constant 0 : i32
    %c0_i32_1 = arith.constant 0 : i32
    return %c0_i32, %c0_i32_0 : i32, i32
  }
  func.func @transform_6(%arg0: i32) -> (i32, i32) {
    %c0_i32 = arith.constant 0 : i32
    %c0_i32_0 = arith.constant 0 : i32
    %c0_i32_1 = arith.constant 0 : i32
    return %c0_i32, %c0_i32_0 : i32, i32
  }
  func.func @transform_7(%arg0: i32) -> (i32, i32) {
    %c0_i32 = arith.constant 0 : i32
    %c0_i32_0 = arith.constant 0 : i32
    %c0_i32_1 = arith.constant 0 : i32
    return %c0_i32, %c0_i32_0 : i32, i32
  }
  func.func @transform_8(%arg0: i32) -> (i32, i32) {
    %c0_i32 = arith.constant 0 : i32
    %c0_i32_0 = arith.constant 0 : i32
    %c0_i32_1 = arith.constant 0 : i32
    return %c0_i32, %c0_i32_0 : i32, i32
  }
  func.func @transform_9(%arg0: i32) -> (i32, i32) {
    %c0_i32 = arith.constant 0 : i32
    %c0_i32_0 = arith.constant 0 : i32
    %c0_i32_1 = arith.constant 0 : i32
    return %c0_i32, %c0_i32_0 : i32, i32
  }
  func.func @transform_10(%arg0: i32) -> (i32, i32) {
    %c0_i32 = arith.constant 0 : i32
    %c0_i32_0 = arith.constant 0 : i32
    %c0_i32_1 = arith.constant 0 : i32
    return %c0_i32, %c0_i32_0 : i32, i32
  }
  func.func @transform_11(%arg0: i32) -> (i32, i32) {
    %c0_i32 = arith.constant 0 : i32
    %c0_i32_0 = arith.constant 0 : i32
    %c0_i32_1 = arith.constant 0 : i32
    return %c0_i32, %c0_i32_0 : i32, i32
  }
  func.func @transform_12(%arg0: i32) -> (i32, i32, i32) {
    %c0_i32 = arith.constant 0 : i32
    %c0_i32_0 = arith.constant 0 : i32
    %c0_i32_1 = arith.constant 0 : i32
    return %arg0, %c0_i32, %c0_i32_0 : i32, i32, i32
  }
  func.func @transform_13(%arg0: i32) -> (i32, i32, i32) {
    %c0_i32 = arith.constant 0 : i32
    %c0_i32_0 = arith.constant 0 : i32
    %c0_i32_1 = arith.constant 0 : i32
    return %arg0, %c0_i32, %c0_i32_0 : i32, i32, i32
  }
  func.func @transform_14(%arg0: i32) -> (i32, i32, i32) {
    %c0_i32 = arith.constant 0 : i32
    %c0_i32_0 = arith.constant 0 : i32
    %c0_i32_1 = arith.constant 0 : i32
    return %arg0, %c0_i32, %c0_i32_0 : i32, i32, i32
  }
  func.func @transform_15(%arg0: i32) -> (i32, i32, i32) {
    %c0_i32 = arith.constant 0 : i32
    %c0_i32_0 = arith.constant 0 : i32
    %c0_i32_1 = arith.constant 0 : i32
    return %arg0, %c0_i32, %c0_i32_0 : i32, i32, i32
  }
  func.func @transform_16(%arg0: i32) -> (i32, i32, i32) {
    %c0_i32 = arith.constant 0 : i32
    %c0_i32_0 = arith.constant 0 : i32
    %c0_i32_1 = arith.constant 0 : i32
    return %arg0, %c0_i32, %c0_i32_0 : i32, i32, i32
  }
  func.func @transform_17(%arg0: i32) -> (i32, i32, i32) {
    %c0_i32 = arith.constant 0 : i32
    %c0_i32_0 = arith.constant 0 : i32
    %c0_i32_1 = arith.constant 0 : i32
    return %arg0, %c0_i32, %c0_i32_0 : i32, i32, i32
  }
}

</mosaic_0001>

<sc_bundles>
// kernel: gather_offload_async_start.1
scs
__scs_entry_jumppad:
0x0: {  	(pc) =	sbr.rel $0x88, $3  }
0x1: {  	(tag) =	ssettag $0x0;
	lr =	simm.s32 $0x1  }
0x2: {  	[smem:$0x3F94] =	sst lr;
	_ =	strace $0xD0000000  }
0x3: {  	_ = 	snop  }
0x4: {  	_ = 	snop  }
0x5: {  	_ = 	snop  }
0x6: {  	_ = 	snop  }
0x7: {  	_ = 	snop  }
__scs_overlays_trampoline_lowered:
0x8: {  	[smem:$0x3FA3] =	sst s0  }
0x9: {  	[smem:$0x3FA4] =	sst s1  }
0xa: {  	[smem:$0x3FA5] =	sst s2  }
0xb: {  	[smem:$0x3FA6] =	sst s3  }
0xc: {  	[smem:$0x3FA7] =	sst s4  }
0xd: {  	[smem:$0x3FA8] =	sst s5  }
0xe: {  	[smem:$0x3FA9] =	sst s6  }
0xf: {  	[smem:$0x3FAA] =	sst s7  }
0x10: {  	[smem:$0x3FAB] =	sst s8  }
0x11: {  	[smem:$0x3FAC] =	sst s9;
	s0 =	simm.s32 @!p0 $0x0  }
0x12: {  	s1 =	sld [smem:$0x3F92];
	s0 =	simm.s32 @p0 $0x1  }
0x13: {  	[smem:$0x3FAD] =	sst s0;
	s0 =	simm.s32 @!p1 $0x0  }
0x14: {  	s2 =	sld [smem:$0x3F91];
	s0 =	simm.s32 @p1 $0x1  }
0x15: {  	[smem:$0x3FAE] =	sst s0;
	s0 =	simm.s32 @!p2 $0x0  }
0x16: {  	s3 =	sld [smem:$0x3FDB];
	s0 =	simm.s32 @p2 $0x1  }
0x17: {  	s4 =	simm.s32 $0x1BF5;
	[smem:$0x3FB0] =	sst s0  }
0x18: {  	s0 =	sld [smem:$0x3F93];
	_ =	swait.ge [sflag:s4], $0x0  }
0x19: {  	s7 =	sld [smem:$0x3F94]  }
0x1a: {  	s8 =	sadd.s32 $0xFFFFE003, lr  }
0x1b: {  	s9 =	sadd.s32 $0xFFFFFEF7, lr;
	s5 =	simm.s32 $0xFFFFFFFF;
	p2 =	slt.u32 s8, $0xFFFFF086  }
0x1c: {  	p1 =	slt.u32 s9, $0xF7A;
	s5 =	simm.s32 @!p2 $0x0  }
0x1d: {  	s5 =	simm.s32 @p1 $0x1;
	p0 =	seq.s32 s7, s2  }
0x1e: {  	s7 =	smul.u32 @!p0 $0xF7A, s2;
	p2 =	seq.s32 @!p0 s5, $0x0  }
0x1f: {  	s9 =	smul.u32 $0xF7A, s1;
	s8 =	simm.s32 @!p0 $0x1BF5;
	p2 =	por !p2, p0  }
0x20: {  	[sflag:s8] =	ssyncset.s32 @!p0 $0xFFFFF086;
	s6 =	sadd.s32 @!p0 s3, s7;
	s7 =	simm.s32 @!p0 $0x108  }
0x21: {  	s3 =	sadd.s32 s3, s9;
	s6 =	sadd.s32 @!p0 $0x88, s6;
	s7 =	simm.s32 @p2 $0x1082  }
0x22: {  	[simem:s7], [sflag:s8] =	dma.local @!p0 [hbm:s6], $0xF7A  }
0x23: {  	s9 =	sor.u32 $0xD0000000, s2;
	s6 =	simm.s32 $0x108;
	_ =	swait.ge @!p0 [sflag:s8], $0x0  }
0x24: {  	s3 =	sadd.s32 $0x88, s3;
	s6 =	simm.s32 @!p1 $0x1082;
	[sflag:s4] =	ssyncset.s32 $0xFFFFF086  }
0x25: {  	[simem:s6], [sflag:s4] =	dma.local [hbm:s3], $0xF7A  }
0x26: {  	[smem:$0x3F94] =	sst s1;
	(tag) =	ssettag s2;
	_ =	strace s9  }
0x27: {  	s1 =	sld [smem:$0x3FA4]  }
0x28: {  	s2 =	sld [smem:$0x3FA5]  }
0x29: {  	s4 =	sld [smem:$0x3FA7]  }
0x2a: {  	p0 =	seq.s32 s5, $0x0;
	s5 =	sld [smem:$0x3FA8]  }
0x2b: {  	s6 =	sld [smem:$0x3FA9]  }
0x2c: {  	s7 =	sld [smem:$0x3FAA]  }
0x2d: {  	s3 =	simm.s32 $0x108;
	s8 =	sld [smem:$0x3FAB]  }
0x2e: {  	s3 =	simm.s32 @!p0 $0x1082;
	s9 =	sld [smem:$0x3FAC]  }
0x2f: {  	lr =	sadd.s32 s0, s3;
	s0 =	sld [smem:$0x3FA3]  }
0x30: {  	s3 =	sld [smem:$0x3FA6]  }
0x31: {  	[smem:$0x3FAF] =	sst s10  }
0x32: {  	s10 =	sld [smem:$0x3FAD];
	_ =	sdelay $0x3  }
0x33: {  	p0 =	seq.s32 s10, $0x1;
	s10 =	sld [smem:$0x3FAF];
	_ =	sdelay $0x3  }
0x34: {  	[smem:$0x3FAF] =	sst s10  }
0x35: {  	s10 =	sld [smem:$0x3FAE];
	_ =	sdelay $0x3  }
0x36: {  	p1 =	seq.s32 s10, $0x1;
	s10 =	sld [smem:$0x3FAF];
	_ =	sdelay $0x3  }
0x37: {  	[smem:$0x3FAF] =	sst s10  }
0x38: {  	s10 =	sld [smem:$0x3FB0]  }
0x39: {  	_ = 	snop;
	(pc) =	sbr.ind lr, $3  }
0x3a: {  	_ = 	snop  }
0x3b: {  	_ = 	snop  }
0x3c: {  	p2 =	seq.s32 s10, $0x1;
	s10 =	sld [smem:$0x3FAF]  }
0x3d: {  	_ =	shalt  }
0x3e: {  	_ =	shalt  }
0x3f: {  	_ =	shalt  }
0x40: {  	_ =	shalt  }
0x41: {  	_ =	shalt  }
0x42: {  	_ =	shalt  }
0x43: {  	_ =	shalt  }
0x44: {  	_ =	shalt  }
0x45: {  	_ =	shalt  }
0x46: {  	_ =	shalt  }
0x47: {  	_ =	shalt  }
0x48: {  	_ =	shalt  }
0x49: {  	_ =	shalt  }
0x4a: {  	_ =	shalt  }
0x4b: {  	_ =	shalt  }
0x4c: {  	_ =	shalt  }
0x4d: {  	_ =	shalt  }
0x4e: {  	_ =	shalt  }
0x4f: {  	_ =	shalt  }
0x50: {  	_ =	shalt  }
0x51: {  	_ =	shalt  }
0x52: {  	_ =	shalt  }
0x53: {  	_ =	shalt  }
0x54: {  	_ =	shalt  }
0x55: {  	_ =	shalt  }
0x56: {  	_ =	shalt  }
0x57: {  	_ =	shalt  }
0x58: {  	_ =	shalt  }
0x59: {  	_ =	shalt  }
0x5a: {  	_ =	shalt  }
0x5b: {  	_ =	shalt  }
0x5c: {  	_ =	shalt  }
0x5d: {  	_ =	shalt  }
0x5e: {  	_ =	shalt  }
0x5f: {  	_ =	shalt  }
0x60: {  	_ =	shalt  }
0x61: {  	_ =	shalt  }
0x62: {  	_ =	shalt  }
0x63: {  	_ =	shalt  }
0x64: {  	_ =	shalt  }
0x65: {  	_ =	shalt  }
0x66: {  	_ =	shalt  }
0x67: {  	_ =	shalt  }
0x68: {  	_ =	shalt  }
0x69: {  	_ =	shalt  }
0x6a: {  	_ =	shalt  }
0x6b: {  	_ =	shalt  }
0x6c: {  	_ =	shalt  }
0x6d: {  	_ =	shalt  }
0x6e: {  	_ =	shalt  }
0x6f: {  	_ =	shalt  }
0x70: {  	_ =	shalt  }
0x71: {  	_ =	shalt  }
0x72: {  	_ =	shalt  }
0x73: {  	_ =	shalt  }
0x74: {  	_ =	shalt  }
0x75: {  	_ =	shalt  }
0x76: {  	_ =	shalt  }
0x77: {  	_ =	shalt  }
0x78: {  	_ =	shalt  }
0x79: {  	_ =	shalt  }
0x7a: {  	_ =	shalt  }
0x7b: {  	_ =	shalt  }
0x7c: {  	_ =	shalt  }
0x7d: {  	_ =	shalt  }
0x7e: {  	_ =	shalt  }
0x7f: {  	_ =	shalt  }
0x80: {  	_ =	shalt  }
0x81: {  	_ =	shalt  }
0x82: {  	_ =	shalt  }
0x83: {  	_ =	shalt  }
0x84: {  	_ =	shalt  }
0x85: {  	_ =	shalt  }
0x86: {  	_ =	shalt  }
0x87: {  	_ =	shalt  }
.Lfunc_end0:
.L_simem_size_0:
called_computation.1_lowered:
.L_overlay_start_0:
0x88: {  	s2 =	sld [smem:$0x3FD9]  }
0x89: {  	s3 =	sld [smem:$0x3FFE];
	_ =	sdelay $0x1  }
0x8a: {  	s1 =	srdreg.scid  }
0x8b: {  	s0 =	sand.u32 $0x1, s1  }
0x8c: {  	s16 =	sshll.u32 s0, $0xA;
	s2 =	sadd.s32 s3, s2  }
0x8d: {  	s2 =	sadd.s32 s2, s16  }
0x8e: {  	[smem:$0x3FBB] =	sst s2  }
0x8f: {  	_ = 	snop  }
0x90: {  	(tm) =	ssettm $0x1  }
0x91: {  	s17 =	sld [smem:$0x3FFB];
	_ =	sdelay $0x3  }
0x92: {  	_ =	strace s17  }
0x93: {  	s2 =	sld [smem:$0x3FFC];
	_ =	sdelay $0x3  }
0x94: {  	_ =	strace s2  }
0x95: {  	s2 =	sld [smem:$0x3FFD];
	_ =	sdelay $0x3  }
0x96: {  	_ =	strace s2  }
0x97: {  	_ =	strace $0x8FFFFFFF  }
0x98: {  	s18 =	sld [smem:$0x3FDB];
	_ =	sdelay $0x1  }
0x99: {  	s19 =	simm.s32 $_scs_section_size  }
0x9a: {  	s4 =	simm.s32 $_size__tile_overlayer_lowered;
	s5 =	simm.s32 $_tile_overlayer_lowered  }
0x9b: {  	s22 =	simm.s32 $0x1BFF;
	s21 =	sshll.u32 s5, $0x1;
	s2 =	sadd.s32 s19, s18  }
0x9c: {  	s6 =	simm.s32 $0x0;
	s20 =	sshll.u32 s4, $0x1;
	s4 =	sadd.s32 s21, s2  }
0x9d: {  	[timem:s6], [sflag:s22] =	dma.local [hbm:s4], s20  }
0x9e: {  	_ =	swait.ge [sflag:s22], s20  }
0x9f: {  	s3 =	ssub.s32 $0x0, s20;
	[sflag:s22] =	ssyncset.done $0x0  }
0xa0: {  	[sflag:s22] =	ssyncadd.s32 s3;
	_ =	sdelay $0x1  }
0xa1: {  	s23 =	simm.s32 $0x1B8B  }
0xa2: {  	_ =	swait.ge [sflag:s23], $0x1  }
0xa3: {  	[sflag:s23] =	ssyncset.done $0x0  }
0xa4: {  	s25 =	simm.s32 $0x1B8E;
	s24 =	sld [smem:$0x3FFE];
	[sflag:s23] =	ssyncadd.s32 $0xFFFFFFFF  }
0xa5: {  	s26 =	simm.s32 $execute0_lowered;
	[smem:$0x3FD2] =	sst s25  }
0xa6: {  	s4 =	sshll.u32 s26, $0x1;
	_ =	strace $0x8000004C;
	[dreg:$0x1] =	wrdreg $0xFFFFFFFF  }
0xa7: {  	s28 =	simm.s32 $_size_execute0_lowered;
	s2 =	sadd.s32 s2, s4;
	[dreg:$0x0] =	wrdreg $0x0  }
0xa8: {  	s4 =	sshll.u32 s28, $0x1;
	[dreg:$0x2] =	wrdreg s2  }
0xa9: {  	[dreg:$0x3] =	wrdreg s4  }
0xaa: {  	[dreg:$0x4] =	wrdreg $0xC0  }
0xab: {  	_ =	task [dreg:s6], $0x5FFFF  }
0xac: {  	[dreg:$0x1] =	wrdreg $0xFFFFFFFF  }
0xad: {  	[dreg:$0x0] =	wrdreg $0x60  }
0xae: {  	[dreg:$0x2] =	wrdreg s24  }
0xaf: {  	[dreg:$0x3] =	wrdreg $0x9  }
0xb0: {  	_ =	task.clear_ibuf [dreg:s6], $0x4FFFF;
	_ =	strace $0x9000004C  }
0xb1: {  	s29 =	simm.s32 $0x9;
	_ =	strace $0x8000004E  }
0xb2: {  	_ =	swait.ge [sflag:s29], $0x1  }
0xb3: {  	[sflag:s29] =	ssyncadd.s32 $0xFFFFFFFF  }
0xb4: {  	_ =	strace $0x9000004E  }
0xb5: {  	_ =	sfence  }
0xb6: {  	s30 =	sld [smem:$0x0];
	_ =	sdelay $0x2  }
0xb7: {  	s31 =	sshll.u32 s1, $0xD;
	s1 =	sshrl.u32 s1, $0x2  }
0xb8: {  	s3 =	sand.u32 $0x4000, s31;
	s1 =	sadd.s32 s1, s30  }
0xb9: {  	s0 =	sor.u32 s3, s0;
	s1 =	sshll.u32 s1, $0x11  }
0xba: {  	s0 =	sor.u32 s1, s0  }
0xbb: {  	s0 =	sadd.s32 $0x8F2B, s0  }
0xbc: {  	[sflag:s0] =	ssyncadd.remote.s32 $0x1  }
0xbd: {  	_ =	sfence.sel $0xFFFF  }
0xbe: {  	[dreg:$0x0] =	wrdreg $0xFFFFFFFF;
	(pc) =	sbr.abs _section_cstart, $3  }
0xbf: {  	[dreg:$0x1] =	wrdreg $0xFFFFFFFF  }
0xc0: {  	_ =	task.clear_ibuf [dreg:s6], $0x2FFFF;
	_ =	strace $0x9FFFFFFF  }
0xc1: {  	(tm) =	ssettm $0x7FFFFFFF  }
tec
execute0_lowered:
.L_overlay_start_1:
0x0: {  	(tag) =	ssettag $0x1  }
0x1: {  	s7 =	rddreg [dreg:$0x0]  }
0x2: {  	s0 =	rddreg [dreg:$0x1];
	_ =	strace $0x8000004D  }
0x3: {  	s1 =	srdreg.scid;
	s4 =	simm.s32 $0x1;
	s9 =	simm.s32 $0x3  }
0x4: {  	s11 =	simm.s32 $0x0;
	p0 =	por $0x0, $0x0;
	s5 =	sshll.u32 s1, $0x4  }
.Ltmp0:
0x5: {  	s1 =	stileid.u32;
	s5 =	sand.u32 $0x10, s5;
	(pc) =	sbr.rel .LBB2_1-.Ltmp0, $4  }
0x6: {  	s2 =	sadd.s32 $0x101E00, s7;
	s3 =	sadd.s32 $0x1200, s7;
	s6 =	sor.u32 s1, s5  }
0x7: {  	[sflag:s4] =	ssyncpa.u1 $0x0;
	s5 =	simm.s32 $0x2;
	s6 =	sshll.u32 s6, $0x7  }
0x8: {  	s7 =	sadd.s32 $0x1C1E00, s7;
	[sflag:s5] =	ssyncpa.u1 $0x0;
	s8 =	sadd.s32 $0x80, s6  }
0x9: {  	vm0 =	vmmov $0xff;
	vm1 =	vcmask $0x3F20;
	[sflag:s9] =	ssyncpa.u1 $0x0;
	s10 =	smov.u32 s6;
	s9 =	simm.s32 $0x0  }
.LBB2_9:
0xa: {  	p1 =	slt.u32 s9, $0x2;
	s11 =	sadd.s32 $0x40, s10  }
0xb: {  	s13 =	smov.u32 s6;
	s9 =	sadd.s32 $0x1, s9;
	p2 =	slt.s32 s11, s8  }
0xc: {  	s13 =	smov.u32 @p2 s11;
	p2 =	sne.s32 s9, $0x4  }
.Ltmp1:
0xd: {  	_ = 	snop;
	(pc) =	sbr.rel @!p2 .LBB2_10-.Ltmp1, $4  }
0xe: {  	s12 =	simm.s32 @!p1 $0x3  }
0xf: {  	_ =	swait.ge @!p1 [sflag:s12], $0x8000  }
0x10: {  	p0 =	por !p0, !p0;
	[sflag:s12] =	ssyncset.done @!p1 $0x0  }
0x11: {  	s11 =	smov.u32 s10;
	s10 =	smov.u32 s13;
	[sflag:s12] =	ssyncadd.s32 @!p1 $0xFFFF8000  }
.LBB2_1:
0x12: {  	p1 =	sgt.u32 s9, $0x1  }
0x13: {  	s12 =	sshll.u32 @!p1 s9, $0x6;
	s13 =	sshrl.u32 @!p1 s10, $0x3  }
0x14: {  	s14 =	sand.u32 @!p1 $0x7, s10;
	s12 =	sxor.u32 @!p1 $0x40, s12;
	s13 =	sadd.s32 @!p1 s3, s13  }
0x15: {  	[tilespmem:s12], [sflag:$0x2] =	stream.linear.gather @!p1 [hbm4b:s13+s14], $0x40, $0x38;
	[tilespmem:$0x10080] =	vst v63  }
0x16: {  	p1 =	seq.s32 s9, $0x0  }
0x17: {  	p2 =	seq.s32 @!p1 s9, $0x3  }
0x18: {  	p1 =	por p1, p2  }
.Ltmp2:
0x19: {  	_ = 	snop;
	(pc) =	sbr.rel @p1 .LBB2_9-.Ltmp2, $1  }
0x1a: {  	_ =	sdelay $0x3  }
0x1b: {  	s12 =	simm.s32 $0x1  }
0x1c: {  	s12 =	simm.s32 @!p0 $0x0  }
0x1d: {  	_ =	swait.ge [sflag:s5], $0x40;
	s13 =	sand.u32 $0x1, s9;
	s12 =	sshll.u32 s12, $0xF  }
0x1e: {  	s14 =	simm.s32 $0x0;
	[sflag:s5] =	ssyncset.done $0x0;
	s12 =	sor.u32 $0x80, s12  }
0x1f: {  	s13 =	sshll.u32 s13, $0x6;
	[sflag:s5] =	ssyncadd.s32 $0xFFFFFFC0;
	s15 =	smov.u32 s12  }
.LBB2_3:
0x20: {  	s16 =	sshll.u32 s14, $0x4  }
0x21: {  	s16 =	sand.u32 $0x3FFFFFF0, s16  }
0x22: {  	s16 =	sadd.s32 s16, s13  }
0x23: {  	v0 =	vld.msk [tilespmem:s16+$0x0 ss:$0x1], $0xffff;
	_ =	sdelay $0x4  }
0x24: {  	v1 =	vshrl.u32 v0, $0x3  }
0x25: {  	vm2 =	veq.s32 v0, $0x80000000;
	v1 =	vand.u32 $0x3FF, v1  }
0x26: {  	v0 =	vshll.u32 v0, $0x13;
	v1 =	vsel vm2, $0xFFFFFFFF, v1  }
0x27: {  	v0 =	vand.u32 $0x380000, v0;
	v2 =	vshll.u32 v1, $0x9  }
0x28: {  	v0 =	vsel vm2, $0xFFF80000, v0;
	v1 =	vshll.u32 v1, $0x7;
	v2 =	vand.u32 $0xFFFFF000, v2  }
0x29: {  	v1 =	vand.u32 $0x380, v1;
	v0 =	vadd.s32 v0, v2  }
0x2a: {  	v0 =	vor.u32 v1, v0  }
0x2b: {  	v0 =	vshrl.u32 v0, $0x3;
	_ =	sdelay $0x3  }
0x2c: {  	s17 =	sadd.s32 $0x0, s15  }
0x2d: {  	[tilespmem:s17], [sflag:$0x1] =	stream.indirect_vreg.gather [hbm:s2], $0x80, v0, vm0, $0x38;
	[tilespmem:$0x10080] =	vst v63  }
0x2e: {  	s16 =	simm.s32 $0x1000;
	v1 =	vadd.s32 $0x80, v0;
	s17 =	sadd.s32 $0x1000, s17  }
.LBB2_4:
0x2f: {  	[tilespmem:s17], [sflag:$0x1] =	stream.indirect_vreg.gather [hbm:s2], $0x80, v0, vm1, $0x38;
	[tilespmem:$0x10080] =	vst v63  }
0x30: {  	v0 =	vmov v1;
	s17 =	smov.u32 s16;
	p1 =	sne.s32 s16, $0x3000  }
.Ltmp3:
0x31: {  	s16 =	sadd.s32 $0x1000, s16;
	(pc) =	sbr.rel @p1 .LBB2_4-.Ltmp3, $4  }
0x32: {  	s17 =	sshra.s32 s17, $0x2  }
0x33: {  	s17 =	sadd.s32 s17, s15  }
0x34: {  	[tilespmem:s17], [sflag:$0x1] =	stream.indirect_vreg.gather [hbm:s2], $0x80, v1, vm0, $0x38;
	[tilespmem:$0x10080] =	vst v63  }
0x35: {  	s17 =	sadd.s32 $0x1000, s17;
	v1 =	vadd.s32 $0x80, v1  }
0x36: {  	s14 =	sadd.s32 $0x1, s14  }
0x37: {  	p1 =	sne.s32 s14, $0x4  }
.Ltmp4:
0x38: {  	_ = 	snop;
	(pc) =	sbr.rel @p1 .LBB2_3-.Ltmp4, $3  }
0x39: {  	_ =	sdelay $0x1  }
0x3a: {  	[tilespmem:s17], [sflag:$0x1] =	stream.indirect_vreg.gather [hbm:s2], $0x80, v0, vm1, $0x38;
	[tilespmem:$0x10080] =	vst v63  }
0x3b: {  	s15 =	sadd.s32 $0x2000, s15  }
0x3c: {  	s13 =	sshll.u32 s11, $0x6  }
0x3d: {  	s31 =	sshll.u32 s11, $0x4;
	s13 =	sand.u32 $0xFFFFFE00, s13  }
0x3e: {  	_ =	swait.ge [sflag:s4], $0x8000;
	s11 =	sand.u32 $0x70, s31;
	s13 =	sadd.s32 s13, s7  }
0x3f: {  	s14 =	sadd.s32 $0x1000, s12;
	[sflag:s4] =	ssyncset.done $0x0;
	s11 =	sadd.s32 s11, s13  }
0x40: {  	[sflag:s4] =	ssyncadd.s32 $0xFFFF8000;
	s13 =	simm.s32 $0x200;
	s15 =	sadd.s32 $0x0, s11  }
.LBB2_7:
0x41: {  	[hbm:s15] =	stream.linear.scatter [tilespmem:s12], [sflag:$0x3], $0x1000, $0x38;
	[tilespmem:$0x10080] =	vst v63  }
0x42: {  	s15 =	smov.u32 s13;
	s12 =	smov.u32 s14;
	p1 =	sne.s32 s13, $0xE00  }
.Ltmp5:
0x43: {  	s13 =	sadd.s32 $0x200, s13;
	(pc) =	sbr.rel @p1 .LBB2_7-.Ltmp5, $2  }
0x44: {  	_ =	sdelay $0x2  }
0x45: {  	s14 =	sadd.s32 $0x1000, s14;
	s15 =	sadd.s32 s15, s11  }
.Ltmp6:
0x46: {  	(pc) =	sbr.rel .LBB2_9-.Ltmp6, $2  }
0x47: {  	_ =	sdelay $0x2  }
0x48: {  	[hbm:s15] =	stream.linear.scatter [tilespmem:s12], [sflag:$0x3], $0x1000, $0x38;
	[tilespmem:$0x10080] =	vst v63  }
.LBB2_10:
0x49: {  	_ =	sfence.sel $0x180000  }
0x4a: {  	s2 =	simm.s32 $0x2;
	[bflag:$0x0] =	sbarrier.arrive $0xFFFF  }
0x4b: {  	s30 =	simm.s32 $0x3;
	[sflag:s2] =	ssyncpa.u1 $0x1  }
0x4c: {  	s31 =	simm.s32 $0x1;
	[sflag:s30] =	ssyncpa.u1 $0x1  }
0x4d: {  	[sflag:s31] =	ssyncpa.u1 $0x1  }
0x4e: {  	p0 =	sne.s32 s1, $0x0;
	_ =	strace $0x9000004D  }
0x4f: {  	s0 =	sadd.s32 @!p0 $0x100000, s0;
	[bflag:$0x2] =	sbarrier.arrive $0xFFFF  }
0x50: {  	[sflag:s0] =	ssyncadd.tile.s32 @!p0 $0x1;
	_ =	shalt  }
.Lfunc_end2:
_tile_overlayer_lowered:
.L_overlay_start_2:
0x51: {  	(tag) =	ssettag $0x2  }
0x52: {  	s0 =	rddreg [dreg:$0x0];
	s2 =	stileid.u32  }
0x53: {  	s1 =	rddreg [dreg:$0x1];
	p0 =	sne.s32 s2, $0x0  }
0x54: {  	s3 =	rddreg [dreg:$0x2];
	[bflag:$0x3] =	sbarrier.arrive $0xFFFF;
	s2 =	simm.s32 @!p0 $0x1C01  }
0x55: {  	[timem:s3], [sflag:s2] =	dma.local @!p0 [hbm:s0], s1  }
0x56: {  	s0 =	simm.s32 @!p0 $0x1  }
0x57: {  	_ =	swait.ge @!p0 [sflag:s0], s1  }
0x58: {  	s1 =	ssub.s32 @!p0 $0x0, s1;
	[sflag:s0] =	ssyncset.done @!p0 $0x0  }
0x59: {  	[sflag:s0] =	ssyncadd.s32 @!p0 s1  }
0x5a: {  	[bflag:$0x3] =	sbarrier.arrive $0xFFFF  }
0x5b: {  	_ =	shalt  }

// kernel: gather_offload_async_start.2
scs
__scs_entry_jumppad:
0x0: {  	(pc) =	sbr.rel $0x88, $3  }
0x1: {  	(tag) =	ssettag $0x0;
	lr =	simm.s32 $0x1  }
0x2: {  	[smem:$0x3F94] =	sst lr;
	_ =	strace $0xD0000000  }
0x3: {  	_ = 	snop  }
0x4: {  	_ = 	snop  }
0x5: {  	_ = 	snop  }
0x6: {  	_ = 	snop  }
0x7: {  	_ = 	snop  }
__scs_overlays_trampoline_lowered:
0x8: {  	[smem:$0x3FA3] =	sst s0  }
0x9: {  	[smem:$0x3FA4] =	sst s1  }
0xa: {  	[smem:$0x3FA5] =	sst s2  }
0xb: {  	[smem:$0x3FA6] =	sst s3  }
0xc: {  	[smem:$0x3FA7] =	sst s4  }
0xd: {  	[smem:$0x3FA8] =	sst s5  }
0xe: {  	[smem:$0x3FA9] =	sst s6  }
0xf: {  	[smem:$0x3FAA] =	sst s7  }
0x10: {  	[smem:$0x3FAB] =	sst s8  }
0x11: {  	[smem:$0x3FAC] =	sst s9;
	s0 =	simm.s32 @!p0 $0x0  }
0x12: {  	s1 =	sld [smem:$0x3F92];
	s0 =	simm.s32 @p0 $0x1  }
0x13: {  	[smem:$0x3FAD] =	sst s0;
	s0 =	simm.s32 @!p1 $0x0  }
0x14: {  	s2 =	sld [smem:$0x3F91];
	s0 =	simm.s32 @p1 $0x1  }
0x15: {  	[smem:$0x3FAE] =	sst s0;
	s0 =	simm.s32 @!p2 $0x0  }
0x16: {  	s3 =	sld [smem:$0x3FDB];
	s0 =	simm.s32 @p2 $0x1  }
0x17: {  	s4 =	simm.s32 $0x1BF5;
	[smem:$0x3FB0] =	sst s0  }
0x18: {  	s0 =	sld [smem:$0x3F93];
	_ =	swait.ge [sflag:s4], $0x0  }
0x19: {  	s7 =	sld [smem:$0x3F94]  }
0x1a: {  	s8 =	sadd.s32 $0xFFFFE003, lr  }
0x1b: {  	s9 =	sadd.s32 $0xFFFFFEF7, lr;
	s5 =	simm.s32 $0xFFFFFFFF;
	p2 =	slt.u32 s8, $0xFFFFF086  }
0x1c: {  	p1 =	slt.u32 s9, $0xF7A;
	s5 =	simm.s32 @!p2 $0x0  }
0x1d: {  	s5 =	simm.s32 @p1 $0x1;
	p0 =	seq.s32 s7, s2  }
0x1e: {  	s7 =	smul.u32 @!p0 $0xF7A, s2;
	p2 =	seq.s32 @!p0 s5, $0x0  }
0x1f: {  	s9 =	smul.u32 $0xF7A, s1;
	s8 =	simm.s32 @!p0 $0x1BF5;
	p2 =	por !p2, p0  }
0x20: {  	[sflag:s8] =	ssyncset.s32 @!p0 $0xFFFFF086;
	s6 =	sadd.s32 @!p0 s3, s7;
	s7 =	simm.s32 @!p0 $0x108  }
0x21: {  	s3 =	sadd.s32 s3, s9;
	s6 =	sadd.s32 @!p0 $0x88, s6;
	s7 =	simm.s32 @p2 $0x1082  }
0x22: {  	[simem:s7], [sflag:s8] =	dma.local @!p0 [hbm:s6], $0xF7A  }
0x23: {  	s9 =	sor.u32 $0xD0000000, s2;
	s6 =	simm.s32 $0x108;
	_ =	swait.ge @!p0 [sflag:s8], $0x0  }
0x24: {  	s3 =	sadd.s32 $0x88, s3;
	s6 =	simm.s32 @!p1 $0x1082;
	[sflag:s4] =	ssyncset.s32 $0xFFFFF086  }
0x25: {  	[simem:s6], [sflag:s4] =	dma.local [hbm:s3], $0xF7A  }
0x26: {  	[smem:$0x3F94] =	sst s1;
	(tag) =	ssettag s2;
	_ =	strace s9  }
0x27: {  	s1 =	sld [smem:$0x3FA4]  }
0x28: {  	s2 =	sld [smem:$0x3FA5]  }
0x29: {  	s4 =	sld [smem:$0x3FA7]  }
0x2a: {  	p0 =	seq.s32 s5, $0x0;
	s5 =	sld [smem:$0x3FA8]  }
0x2b: {  	s6 =	sld [smem:$0x3FA9]  }
0x2c: {  	s7 =	sld [smem:$0x3FAA]  }
0x2d: {  	s3 =	simm.s32 $0x108;
	s8 =	sld [smem:$0x3FAB]  }
0x2e: {  	s3 =	simm.s32 @!p0 $0x1082;
	s9 =	sld [smem:$0x3FAC]  }
0x2f: {  	lr =	sadd.s32 s0, s3;
	s0 =	sld [smem:$0x3FA3]  }
0x30: {  	s3 =	sld [smem:$0x3FA6]  }
0x31: {  	[smem:$0x3FAF] =	sst s10  }
0x32: {  	s10 =	sld [smem:$0x3FAD];
	_ =	sdelay $0x3  }
0x33: {  	p0 =	seq.s32 s10, $0x1;
	s10 =	sld [smem:$0x3FAF];
	_ =	sdelay $0x3  }
0x34: {  	[smem:$0x3FAF] =	sst s10  }
0x35: {  	s10 =	sld [smem:$0x3FAE];
	_ =	sdelay $0x3  }
0x36: {  	p1 =	seq.s32 s10, $0x1;
	s10 =	sld [smem:$0x3FAF];
	_ =	sdelay $0x3  }
0x37: {  	[smem:$0x3FAF] =	sst s10  }
0x38: {  	s10 =	sld [smem:$0x3FB0]  }
0x39: {  	_ = 	snop;
	(pc) =	sbr.ind lr, $3  }
0x3a: {  	_ = 	snop  }
0x3b: {  	_ = 	snop  }
0x3c: {  	p2 =	seq.s32 s10, $0x1;
	s10 =	sld [smem:$0x3FAF]  }
0x3d: {  	_ =	shalt  }
0x3e: {  	_ =	shalt  }
0x3f: {  	_ =	shalt  }
0x40: {  	_ =	shalt  }
0x41: {  	_ =	shalt  }
0x42: {  	_ =	shalt  }
0x43: {  	_ =	shalt  }
0x44: {  	_ =	shalt  }
0x45: {  	_ =	shalt  }
0x46: {  	_ =	shalt  }
0x47: {  	_ =	shalt  }
0x48: {  	_ =	shalt  }
0x49: {  	_ =	shalt  }
0x4a: {  	_ =	shalt  }
0x4b: {  	_ =	shalt  }
0x4c: {  	_ =	shalt  }
0x4d: {  	_ =	shalt  }
0x4e: {  	_ =	shalt  }
0x4f: {  	_ =	shalt  }
0x50: {  	_ =	shalt  }
0x51: {  	_ =	shalt  }
0x52: {  	_ =	shalt  }
0x53: {  	_ =	shalt  }
0x54: {  	_ =	shalt  }
0x55: {  	_ =	shalt  }
0x56: {  	_ =	shalt  }
0x57: {  	_ =	shalt  }
0x58: {  	_ =	shalt  }
0x59: {  	_ =	shalt  }
0x5a: {  	_ =	shalt  }
0x5b: {  	_ =	shalt  }
0x5c: {  	_ =	shalt  }
0x5d: {  	_ =	shalt  }
0x5e: {  	_ =	shalt  }
0x5f: {  	_ =	shalt  }
0x60: {  	_ =	shalt  }
0x61: {  	_ =	shalt  }
0x62: {  	_ =	shalt  }
0x63: {  	_ =	shalt  }
0x64: {  	_ =	shalt  }
0x65: {  	_ =	shalt  }
0x66: {  	_ =	shalt  }
0x67: {  	_ =	shalt  }
0x68: {  	_ =	shalt  }
0x69: {  	_ =	shalt  }
0x6a: {  	_ =	shalt  }
0x6b: {  	_ =	shalt  }
0x6c: {  	_ =	shalt  }
0x6d: {  	_ =	shalt  }
0x6e: {  	_ =	shalt  }
0x6f: {  	_ =	shalt  }
0x70: {  	_ =	shalt  }
0x71: {  	_ =	shalt  }
0x72: {  	_ =	shalt  }
0x73: {  	_ =	shalt  }
0x74: {  	_ =	shalt  }
0x75: {  	_ =	shalt  }
0x76: {  	_ =	shalt  }
0x77: {  	_ =	shalt  }
0x78: {  	_ =	shalt  }
0x79: {  	_ =	shalt  }
0x7a: {  	_ =	shalt  }
0x7b: {  	_ =	shalt  }
0x7c: {  	_ =	shalt  }
0x7d: {  	_ =	shalt  }
0x7e: {  	_ =	shalt  }
0x7f: {  	_ =	shalt  }
0x80: {  	_ =	shalt  }
0x81: {  	_ =	shalt  }
0x82: {  	_ =	shalt  }
0x83: {  	_ =	shalt  }
0x84: {  	_ =	shalt  }
0x85: {  	_ =	shalt  }
0x86: {  	_ =	shalt  }
0x87: {  	_ =	shalt  }
.Lfunc_end0:
.L_simem_size_0:
called_computation.2_lowered:
.L_overlay_start_0:
0x88: {  	s2 =	sld [smem:$0x3FD9]  }
0x89: {  	s3 =	sld [smem:$0x3FFE];
	_ =	sdelay $0x1  }
0x8a: {  	s1 =	srdreg.scid  }
0x8b: {  	s0 =	sand.u32 $0x1, s1  }
0x8c: {  	s17 =	sshll.u32 s0, $0xA;
	s2 =	sadd.s32 s3, s2  }
0x8d: {  	s2 =	sadd.s32 s2, s17  }
0x8e: {  	[smem:$0x3FBB] =	sst s2  }
0x8f: {  	_ = 	snop  }
0x90: {  	s2 =	sld [smem:$0x3FC7];
	(tm) =	ssettm $0x1  }
0x91: {  	s18 =	sld [smem:$0x3FFB];
	_ =	sdelay $0x3  }
0x92: {  	_ =	strace s18  }
0x93: {  	s3 =	sld [smem:$0x3FFC];
	_ =	sdelay $0x3  }
0x94: {  	_ =	strace s3  }
0x95: {  	s3 =	sld [smem:$0x3FFD];
	_ =	sdelay $0x3  }
0x96: {  	_ =	strace s3  }
0x97: {  	_ =	strace $0x8FFFFFFF  }
0x98: {  	s19 =	sld [smem:$0x3FDB];
	_ =	sdelay $0x1  }
0x99: {  	s4 =	simm.s32 $_scs_section_size  }
0x9a: {  	s5 =	simm.s32 $_size__tile_overlayer_lowered;
	s6 =	simm.s32 $_tile_overlayer_lowered  }
0x9b: {  	s22 =	simm.s32 $0x1BFF;
	s21 =	sshll.u32 s6, $0x1;
	s3 =	sadd.s32 s4, s19  }
0x9c: {  	s7 =	simm.s32 $0x0;
	s20 =	sshll.u32 s5, $0x1;
	s5 =	sadd.s32 s21, s3  }
0x9d: {  	[timem:s7], [sflag:s22] =	dma.local [hbm:s5], s20  }
0x9e: {  	_ =	swait.ge [sflag:s22], s20  }
0x9f: {  	s4 =	ssub.s32 $0x0, s20;
	[sflag:s22] =	ssyncset.done $0x0  }
0xa0: {  	[sflag:s22] =	ssyncadd.s32 s4;
	_ =	sdelay $0x1  }
0xa1: {  	s23 =	simm.s32 $0x1B8B  }
0xa2: {  	_ =	swait.ge [sflag:s23], $0x1  }
0xa3: {  	[sflag:s23] =	ssyncset.done $0x0  }
0xa4: {  	s25 =	simm.s32 $0x1B8E;
	s24 =	sld [smem:$0x3FFE];
	[sflag:s23] =	ssyncadd.s32 $0xFFFFFFFF  }
0xa5: {  	s26 =	simm.s32 $execute0_lowered;
	[smem:$0x3FD2] =	sst s25  }
0xa6: {  	s5 =	sshll.u32 s26, $0x1;
	_ =	strace $0x80000046;
	[dreg:$0x1] =	wrdreg $0xFFFFFFFF  }
0xa7: {  	s28 =	simm.s32 $_size_execute0_lowered;
	s3 =	sadd.s32 s3, s5;
	[dreg:$0x0] =	wrdreg $0x0  }
0xa8: {  	s5 =	sshll.u32 s28, $0x1;
	[dreg:$0x2] =	wrdreg s3  }
0xa9: {  	[dreg:$0x3] =	wrdreg s5  }
0xaa: {  	[dreg:$0x4] =	wrdreg $0xC0  }
0xab: {  	_ =	task [dreg:s7], $0x5FFFF  }
0xac: {  	[dreg:$0x1] =	wrdreg $0xFFFFFFFF  }
0xad: {  	[dreg:$0x0] =	wrdreg $0x60  }
0xae: {  	[dreg:$0x2] =	wrdreg s2  }
0xaf: {  	[dreg:$0x3] =	wrdreg s24  }
0xb0: {  	[dreg:$0x4] =	wrdreg $0xA  }
0xb1: {  	_ =	task.clear_ibuf [dreg:s7], $0x5FFFF;
	_ =	strace $0x90000046  }
0xb2: {  	s29 =	simm.s32 $0xA;
	_ =	strace $0x80000048  }
0xb3: {  	_ =	swait.ge [sflag:s29], $0x1  }
0xb4: {  	[sflag:s29] =	ssyncadd.s32 $0xFFFFFFFF  }
0xb5: {  	_ =	strace $0x90000048  }
0xb6: {  	_ =	sfence  }
0xb7: {  	s30 =	sld [smem:$0x0];
	_ =	sdelay $0x2  }
0xb8: {  	s31 =	sshll.u32 s1, $0xD;
	s1 =	sshrl.u32 s1, $0x2  }
0xb9: {  	s3 =	sand.u32 $0x4000, s31;
	s1 =	sadd.s32 s1, s30  }
0xba: {  	s0 =	sor.u32 s3, s0;
	s1 =	sshll.u32 s1, $0x11  }
0xbb: {  	s0 =	sor.u32 s1, s0  }
0xbc: {  	s0 =	sadd.s32 $0x8F2B, s0  }
0xbd: {  	[sflag:s0] =	ssyncadd.remote.s32 $0x1  }
0xbe: {  	_ =	sfence.sel $0xFFFF  }
0xbf: {  	[dreg:$0x0] =	wrdreg $0xFFFFFFFF;
	(pc) =	sbr.abs _section_cstart, $3  }
0xc0: {  	[dreg:$0x1] =	wrdreg $0xFFFFFFFF  }
0xc1: {  	_ =	task.clear_ibuf [dreg:s7], $0x2FFFF;
	_ =	strace $0x9FFFFFFF  }
0xc2: {  	(tm) =	ssettm $0x7FFFFFFF  }
0xc3: {  	_ =	shalt  }
tec
execute0_lowered:
.L_overlay_start_1:
0x0: {  	(tag) =	ssettag $0x1  }
0x1: {  	s1 =	srdreg.scid;
	s2 =	rddreg [dreg:$0x0]  }
0x2: {  	s0 =	stileid.u32;
	s5 =	rddreg [dreg:$0x1];
	s6 =	simm.s32 $0x1  }
0x3: {  	s9 =	simm.s32 $0x1;
	s10 =	simm.s32 $0x3;
	s1 =	sshll.u32 s1, $0x6  }
0x4: {  	s13 =	simm.s32 $0x0;
	s3 =	sshll.u32 s0, $0x7;
	s4 =	sand.u32 $0x40, s1  }
0x5: {  	s12 =	simm.s32 $0x0;
	s1 =	rddreg [dreg:$0x2];
	s3 =	sor.u32 s3, s4  }
0x6: {  	_ =	strace $0x80000047;
	s4 =	sadd.s32 $0x1200, s5;
	s8 =	ssub.s32 $0x1000, s3  }
.Ltmp0:
0x7: {  	s5 =	sadd.s32 $0x101C00, s5;
	s7 =	sand.u32 $0x7C0, s8;
	(pc) =	sbr.rel .LBB2_1-.Ltmp0, $4  }
0x8: {  	[sflag:s6] =	ssyncpa.u1 $0x0;
	s11 =	smov.u32 s3;
	p0 =	sne.s32 s7, $0x0  }
0x9: {  	s8 =	sshrl.u32 s8, $0xB;
	s7 =	simm.s32 $0x2;
	s9 =	simm.s32 @!p0 $0x0  }
0xa: {  	[sflag:s7] =	ssyncpa.u1 $0x0;
	p0 =	por $0x0, $0x0;
	s8 =	sadd.s32 s9, s8  }
0xb: {  	vm0 =	vmmov $0xffff;
	[sflag:s10] =	ssyncpa.u1 $0x0;
	s10 =	simm.s32 $0x0;
	s9 =	sadd.s32 $0x1, s8  }
.LBB2_4:
0xc: {  	vm1 =	veq.s32 v1, $0x80000000;
	v2 =	vand.u32 $0x3FF, v2  }
0xd: {  	v63 =	vand.u32 $0x7, v1;
	v2 =	vsel vm1, $0xFFFFFFFF, v2  }
0xe: {  	v1 =	vsel vm1, $0xFFFFFFFF, v63;
	v3 =	vshll.u32 v2, $0x3  }
0xf: {  	v4 =	vand.u32 $0xFFFFE000, v1;
	v1 =	vshll.u32 v1, $0x7;
	v3 =	vand.u32 $0xFFFFFC00, v3  }
0x10: {  	v1 =	vand.u32 $0x380, v1;
	v3 =	vadd.s32 v4, v3  }
0x11: {  	v2 =	vand.u32 $0x7F, v2;
	v1 =	vor.u32 v1, v3  }
0x12: {  	v1 =	vor.u32 v2, v1;
	_ =	sdelay $0x1  }
0x13: {  	(ifvalue) =	ssetifvalue $0x7FFFFFFF;
	s14 =	sadd.s32 $0x10, s14  }
0x14: {  	[tilespmem:s14], [sflag:$0x1] =	stream.indirect_vreg.gather [hbm4b:s2+s10], $0x1, v0, vm0, $0x4038;
	[tilespmem:$0x100] =	vst v63  }
0x15: {  	(ifvalue) =	ssetifvalue $0x7FFFFFFF;
	s14 =	sadd.s32 $0x10, s14  }
0x16: {  	[tilespmem:s14], [sflag:$0x1] =	stream.indirect_vreg.gather [hbm4b:s2+s10], $0x1, v1, vm0, $0x4038;
	[tilespmem:$0x100] =	vst v63  }
0x17: {  	_ =	swait.ge [sflag:s6], $0x40  }
0x18: {  	s30 =	sshrl.u32 s13, $0x3;
	[sflag:s6] =	ssyncset.done $0x0  }
0x19: {  	s31 =	sand.u32 $0x7, s13;
	s14 =	sadd.s32 s5, s30;
	[sflag:s6] =	ssyncadd.s32 $0xFFFFFFC0  }
0x1a: {  	[hbm4b:s14+s31] =	stream.linear.scatter [tilespmem:s15], [sflag:$0x3], $0x40, $0x38;
	[tilespmem:$0x100] =	vst v63  }
.LBB2_5:
0x1b: {  	s15 =	sadd.s32 $0x800, s11  }
0x1c: {  	p2 =	sgt.s32 s15, $0xFFF  }
0x1d: {  	s15 =	smov.u32 @p2 s3;
	p2 =	sne.s32 s12, s9  }
.Ltmp1:
0x1e: {  	p1 =	slt.u32 s12, $0x2;
	(pc) =	sbr.rel @!p2 .LBB2_6-.Ltmp1, $4  }
0x1f: {  	s14 =	simm.s32 @!p1 $0x3  }
0x20: {  	s16 =	sadd.s32 $0x1, s12;
	_ =	swait.ge @!p1 [sflag:s14], $0x40  }
0x21: {  	s13 =	smov.u32 s11;
	p0 =	por !p0, !p0;
	[sflag:s14] =	ssyncset.done @!p1 $0x0  }
0x22: {  	s12 =	smov.u32 s16;
	s11 =	smov.u32 s15;
	[sflag:s14] =	ssyncadd.s32 @!p1 $0xFFFFFFC0  }
.LBB2_1:
0x23: {  	p1 =	sge.u32 s12, s8  }
0x24: {  	s14 =	sxor.u32 @!p1 $0xFFFFFFFF, s12  }
0x25: {  	s31 =	sadd.s32 $0xFFFFFFFF, s12;
	s15 =	sshrl.u32 @!p1 s11, $0x3;
	s14 =	sshll.u32 @!p1 s14, $0x6  }
0x26: {  	s16 =	sand.u32 @!p1 $0x7, s11;
	s15 =	sadd.s32 @!p1 s4, s15;
	s14 =	sand.u32 @!p1 $0x40, s14  }
0x27: {  	[tilespmem:s14], [sflag:$0x2] =	stream.linear.gather @!p1 [hbm4b:s15+s16], $0x40, $0x38;
	[tilespmem:$0x100] =	vst v63  }
0x28: {  	p1 =	sge.u32 s31, s8  }
.Ltmp2:
0x29: {  	_ = 	snop;
	(pc) =	sbr.rel @p1 .LBB2_5-.Ltmp2, $1  }
0x2a: {  	_ =	sdelay $0x3  }
0x2b: {  	s14 =	simm.s32 $0x1  }
0x2c: {  	_ =	swait.ge [sflag:s7], $0x40;
	s14 =	simm.s32 @!p0 $0x0  }
0x2d: {  	[sflag:s7] =	ssyncset.done $0x0;
	s14 =	sshll.u32 s14, $0x6  }
0x2e: {  	[sflag:s7] =	ssyncadd.s32 $0xFFFFFFC0;
	(ifvalue) =	ssetifvalue $0x7FFFFFFF;
	v0 =	vld.msk [tilespmem:s14+$0x0 ss:$0x1], $0xffff;
	_ =	sdelay $0x4  }
0x2f: {  	s15 =	sadd.s32 $0x10, s14;
	v1 =	vshrl.u32 v0, $0x3  }
0x30: {  	v2 =	vld.msk [tilespmem:s15+$0x0 ss:$0x1], $0xffff;
	vm1 =	veq.s32 v0, $0x80000000;
	v1 =	vand.u32 $0x3FF, v1  }
0x31: {  	v0 =	vand.u32 $0x7, v0;
	v1 =	vsel vm1, $0xFFFFFFFF, v1  }
0x32: {  	v0 =	vsel vm1, $0xFFFFFFFF, v0;
	v3 =	vshll.u32 v1, $0x3  }
0x33: {  	v4 =	vand.u32 $0xFFFFE000, v0;
	v0 =	vshll.u32 v0, $0x7;
	v3 =	vand.u32 $0xFFFFFC00, v3  }
0x34: {  	v0 =	vand.u32 $0x380, v0;
	v3 =	vadd.s32 v4, v3  }
0x35: {  	v1 =	vand.u32 $0x7F, v1;
	v0 =	vor.u32 v0, v3;
	v3 =	vshrl.u32 v2, $0x3  }
0x36: {  	s17 =	sadd.s32 $0x10, s15;
	vm1 =	veq.s32 v2, $0x80000000;
	v0 =	vor.u32 v1, v0;
	v3 =	vand.u32 $0x3FF, v3  }
0x37: {  	v2 =	vand.u32 $0x7, v2;
	v1 =	vld.msk [tilespmem:s17+$0x0 ss:$0x1], $0xffff;
	v3 =	vsel vm1, $0xFFFFFFFF, v3  }
0x38: {  	v2 =	vsel vm1, $0xFFFFFFFF, v2;
	v63 =	vshll.u32 v3, $0x3  }
0x39: {  	s31 =	sshll.u32 s12, $0x6;
	v5 =	vand.u32 $0xFFFFE000, v2;
	v2 =	vshll.u32 v2, $0x7;
	v4 =	vand.u32 $0xFFFFFC00, v63  }
0x3a: {  	s14 =	sor.u32 $0x80, s14;
	s15 =	sand.u32 $0x40, s31;
	(ifvalue) =	ssetifvalue $0x7FFFFFFF;
	v2 =	vand.u32 $0x380, v2;
	v4 =	vadd.s32 v5, v4  }
0x3b: {  	[tilespmem:s14], [sflag:$0x1] =	stream.indirect_vreg.gather [hbm4b:s2+s10], $0x1, v0, vm0, $0x4038;
	v0 =	vand.u32 $0x7F, v3;
	v3 =	vor.u32 v2, v4;
	[tilespmem:$0x100] =	vst v63  }
0x3c: {  	s16 =	simm.s32 $0x20;
	s15 =	sor.u32 $0x80, s15;
	s17 =	sadd.s32 $0x10, s17;
	v2 =	vshrl.u32 v1, $0x3;
	v0 =	vor.u32 v0, v3  }
.LBB2_3:
0x3d: {  	v3 =	vld.msk [tilespmem:s17+$0x0 ss:$0x1], $0xffff;
	s16 =	sadd.s32 $0x10, s16;
	vm1 =	veq.s32 v1, $0x80000000;
	v2 =	vand.u32 $0x3FF, v2  }
0x3e: {  	v1 =	vand.u32 $0x7, v1;
	p1 =	slt.u32 s16, $0x30;
	v2 =	vsel vm1, $0xFFFFFFFF, v2  }
.Ltmp3:
0x3f: {  	v1 =	vsel vm1, $0xFFFFFFFF, v1;
	v4 =	vshll.u32 v2, $0x3;
	(pc) =	sbr.rel @p1 .LBB2_3-.Ltmp3, $4  }
0x40: {  	s14 =	sadd.s32 $0x10, s14;
	v5 =	vand.u32 $0xFFFFE000, v1;
	v1 =	vshll.u32 v1, $0x7;
	v4 =	vand.u32 $0xFFFFFC00, v4;
	(ifvalue) =	ssetifvalue $0x7FFFFFFF  }
0x41: {  	v4 =	vadd.s32 v5, v4;
	v5 =	vand.u32 $0x380, v1;
	[tilespmem:s14], [sflag:$0x1] =	stream.indirect_vreg.gather [hbm4b:s2+s10], $0x1, v0, vm0, $0x4038;
	[tilespmem:$0x100] =	vst v63  }
0x42: {  	v0 =	vand.u32 $0x7F, v2;
	v4 =	vor.u32 v5, v4  }
0x43: {  	s17 =	sadd.s32 $0x10, s17;
	v2 =	vshrl.u32 v3, $0x3;
	v1 =	vmov v3;
	v0 =	vor.u32 v0, v4  }
.Ltmp4:
0x44: {  	_ = 	snop;
	(pc) =	sbr.rel .LBB2_4-.Ltmp4, $1  }
0x45: {  	_ =	sdelay $0x3  }
.LBB2_6:
0x46: {  	_ =	sfence.sel $0x180000  }
0x47: {  	s2 =	simm.s32 $0x2;
	[bflag:$0x0] =	sbarrier.arrive $0xFFFF  }
0x48: {  	s30 =	simm.s32 $0x3;
	[sflag:s2] =	ssyncpa.u1 $0x1  }
0x49: {  	s31 =	simm.s32 $0x1;
	[sflag:s30] =	ssyncpa.u1 $0x1  }
0x4a: {  	[sflag:s31] =	ssyncpa.u1 $0x1  }
0x4b: {  	p0 =	sne.s32 s0, $0x0;
	_ =	strace $0x90000047  }
0x4c: {  	s0 =	sadd.s32 @!p0 $0x100000, s1;
	[bflag:$0x2] =	sbarrier.arrive $0xFFFF  }
0x4d: {  	[sflag:s0] =	ssyncadd.tile.s32 @!p0 $0x1;
	_ =	shalt  }
.Lfunc_end2:
_tile_overlayer_lowered:
.L_overlay_start_2:
0x4e: {  	(tag) =	ssettag $0x2  }
0x4f: {  	s0 =	rddreg [dreg:$0x0];
	s2 =	stileid.u32  }
0x50: {  	s1 =	rddreg [dreg:$0x1];
	p0 =	sne.s32 s2, $0x0  }
0x51: {  	s3 =	rddreg [dreg:$0x2];
	[bflag:$0x3] =	sbarrier.arrive $0xFFFF;
	s2 =	simm.s32 @!p0 $0x1C01  }
0x52: {  	[timem:s3], [sflag:s2] =	dma.local @!p0 [hbm:s0], s1  }
0x53: {  	s0 =	simm.s32 @!p0 $0x1  }
0x54: {  	_ =	swait.ge @!p0 [sflag:s0], s1  }
0x55: {  	s1 =	ssub.s32 @!p0 $0x0, s1;
	[sflag:s0] =	ssyncset.done @!p0 $0x0  }
0x56: {  	[sflag:s0] =	ssyncadd.s32 @!p0 s1  }
0x57: {  	[bflag:$0x3] =	sbarrier.arrive $0xFFFF  }
0x58: {  	_ =	shalt  }

// kernel: gather_offload_async_start.3
scs
__scs_entry_jumppad:
0x0: {  	(pc) =	sbr.rel $0x88, $3  }
0x1: {  	(tag) =	ssettag $0x0;
	lr =	simm.s32 $0x1  }
0x2: {  	[smem:$0x3F94] =	sst lr;
	_ =	strace $0xD0000000  }
0x3: {  	_ = 	snop  }
0x4: {  	_ = 	snop  }
0x5: {  	_ = 	snop  }
0x6: {  	_ = 	snop  }
0x7: {  	_ = 	snop  }
__scs_overlays_trampoline_lowered:
0x8: {  	[smem:$0x3FA3] =	sst s0  }
0x9: {  	[smem:$0x3FA4] =	sst s1  }
0xa: {  	[smem:$0x3FA5] =	sst s2  }
0xb: {  	[smem:$0x3FA6] =	sst s3  }
0xc: {  	[smem:$0x3FA7] =	sst s4  }
0xd: {  	[smem:$0x3FA8] =	sst s5  }
0xe: {  	[smem:$0x3FA9] =	sst s6  }
0xf: {  	[smem:$0x3FAA] =	sst s7  }
0x10: {  	[smem:$0x3FAB] =	sst s8  }
0x11: {  	[smem:$0x3FAC] =	sst s9;
	s0 =	simm.s32 @!p0 $0x0  }
0x12: {  	s1 =	sld [smem:$0x3F92];
	s0 =	simm.s32 @p0 $0x1  }
0x13: {  	[smem:$0x3FAD] =	sst s0;
	s0 =	simm.s32 @!p1 $0x0  }
0x14: {  	s2 =	sld [smem:$0x3F91];
	s0 =	simm.s32 @p1 $0x1  }
0x15: {  	[smem:$0x3FAE] =	sst s0;
	s0 =	simm.s32 @!p2 $0x0  }
0x16: {  	s3 =	sld [smem:$0x3FDB];
	s0 =	simm.s32 @p2 $0x1  }
0x17: {  	s4 =	simm.s32 $0x1BF5;
	[smem:$0x3FB0] =	sst s0  }
0x18: {  	s0 =	sld [smem:$0x3F93];
	_ =	swait.ge [sflag:s4], $0x0  }
0x19: {  	s7 =	sld [smem:$0x3F94]  }
0x1a: {  	s8 =	sadd.s32 $0xFFFFE003, lr  }
0x1b: {  	s9 =	sadd.s32 $0xFFFFFEF7, lr;
	s5 =	simm.s32 $0xFFFFFFFF;
	p2 =	slt.u32 s8, $0xFFFFF086  }
0x1c: {  	p1 =	slt.u32 s9, $0xF7A;
	s5 =	simm.s32 @!p2 $0x0  }
0x1d: {  	s5 =	simm.s32 @p1 $0x1;
	p0 =	seq.s32 s7, s2  }
0x1e: {  	s7 =	smul.u32 @!p0 $0xF7A, s2;
	p2 =	seq.s32 @!p0 s5, $0x0  }
0x1f: {  	s9 =	smul.u32 $0xF7A, s1;
	s8 =	simm.s32 @!p0 $0x1BF5;
	p2 =	por !p2, p0  }
0x20: {  	[sflag:s8] =	ssyncset.s32 @!p0 $0xFFFFF086;
	s6 =	sadd.s32 @!p0 s3, s7;
	s7 =	simm.s32 @!p0 $0x108  }
0x21: {  	s3 =	sadd.s32 s3, s9;
	s6 =	sadd.s32 @!p0 $0x88, s6;
	s7 =	simm.s32 @p2 $0x1082  }
0x22: {  	[simem:s7], [sflag:s8] =	dma.local @!p0 [hbm:s6], $0xF7A  }
0x23: {  	s9 =	sor.u32 $0xD0000000, s2;
	s6 =	simm.s32 $0x108;
	_ =	swait.ge @!p0 [sflag:s8], $0x0  }
0x24: {  	s3 =	sadd.s32 $0x88, s3;
	s6 =	simm.s32 @!p1 $0x1082;
	[sflag:s4] =	ssyncset.s32 $0xFFFFF086  }
0x25: {  	[simem:s6], [sflag:s4] =	dma.local [hbm:s3], $0xF7A  }
0x26: {  	[smem:$0x3F94] =	sst s1;
	(tag) =	ssettag s2;
	_ =	strace s9  }
0x27: {  	s1 =	sld [smem:$0x3FA4]  }
0x28: {  	s2 =	sld [smem:$0x3FA5]  }
0x29: {  	s4 =	sld [smem:$0x3FA7]  }
0x2a: {  	p0 =	seq.s32 s5, $0x0;
	s5 =	sld [smem:$0x3FA8]  }
0x2b: {  	s6 =	sld [smem:$0x3FA9]  }
0x2c: {  	s7 =	sld [smem:$0x3FAA]  }
0x2d: {  	s3 =	simm.s32 $0x108;
	s8 =	sld [smem:$0x3FAB]  }
0x2e: {  	s3 =	simm.s32 @!p0 $0x1082;
	s9 =	sld [smem:$0x3FAC]  }
0x2f: {  	lr =	sadd.s32 s0, s3;
	s0 =	sld [smem:$0x3FA3]  }
0x30: {  	s3 =	sld [smem:$0x3FA6]  }
0x31: {  	[smem:$0x3FAF] =	sst s10  }
0x32: {  	s10 =	sld [smem:$0x3FAD];
	_ =	sdelay $0x3  }
0x33: {  	p0 =	seq.s32 s10, $0x1;
	s10 =	sld [smem:$0x3FAF];
	_ =	sdelay $0x3  }
0x34: {  	[smem:$0x3FAF] =	sst s10  }
0x35: {  	s10 =	sld [smem:$0x3FAE];
	_ =	sdelay $0x3  }
0x36: {  	p1 =	seq.s32 s10, $0x1;
	s10 =	sld [smem:$0x3FAF];
	_ =	sdelay $0x3  }
0x37: {  	[smem:$0x3FAF] =	sst s10  }
0x38: {  	s10 =	sld [smem:$0x3FB0]  }
0x39: {  	_ = 	snop;
	(pc) =	sbr.ind lr, $3  }
0x3a: {  	_ = 	snop  }
0x3b: {  	_ = 	snop  }
0x3c: {  	p2 =	seq.s32 s10, $0x1;
	s10 =	sld [smem:$0x3FAF]  }
0x3d: {  	_ =	shalt  }
0x3e: {  	_ =	shalt  }
0x3f: {  	_ =	shalt  }
0x40: {  	_ =	shalt  }
0x41: {  	_ =	shalt  }
0x42: {  	_ =	shalt  }
0x43: {  	_ =	shalt  }
0x44: {  	_ =	shalt  }
0x45: {  	_ =	shalt  }
0x46: {  	_ =	shalt  }
0x47: {  	_ =	shalt  }
0x48: {  	_ =	shalt  }
0x49: {  	_ =	shalt  }
0x4a: {  	_ =	shalt  }
0x4b: {  	_ =	shalt  }
0x4c: {  	_ =	shalt  }
0x4d: {  	_ =	shalt  }
0x4e: {  	_ =	shalt  }
0x4f: {  	_ =	shalt  }
0x50: {  	_ =	shalt  }
0x51: {  	_ =	shalt  }
0x52: {  	_ =	shalt  }
0x53: {  	_ =	shalt  }
0x54: {  	_ =	shalt  }
0x55: {  	_ =	shalt  }
0x56: {  	_ =	shalt  }
0x57: {  	_ =	shalt  }
0x58: {  	_ =	shalt  }
0x59: {  	_ =	shalt  }
0x5a: {  	_ =	shalt  }
0x5b: {  	_ =	shalt  }
0x5c: {  	_ =	shalt  }
0x5d: {  	_ =	shalt  }
0x5e: {  	_ =	shalt  }
0x5f: {  	_ =	shalt  }
0x60: {  	_ =	shalt  }
0x61: {  	_ =	shalt  }
0x62: {  	_ =	shalt  }
0x63: {  	_ =	shalt  }
0x64: {  	_ =	shalt  }
0x65: {  	_ =	shalt  }
0x66: {  	_ =	shalt  }
0x67: {  	_ =	shalt  }
0x68: {  	_ =	shalt  }
0x69: {  	_ =	shalt  }
0x6a: {  	_ =	shalt  }
0x6b: {  	_ =	shalt  }
0x6c: {  	_ =	shalt  }
0x6d: {  	_ =	shalt  }
0x6e: {  	_ =	shalt  }
0x6f: {  	_ =	shalt  }
0x70: {  	_ =	shalt  }
0x71: {  	_ =	shalt  }
0x72: {  	_ =	shalt  }
0x73: {  	_ =	shalt  }
0x74: {  	_ =	shalt  }
0x75: {  	_ =	shalt  }
0x76: {  	_ =	shalt  }
0x77: {  	_ =	shalt  }
0x78: {  	_ =	shalt  }
0x79: {  	_ =	shalt  }
0x7a: {  	_ =	shalt  }
0x7b: {  	_ =	shalt  }
0x7c: {  	_ =	shalt  }
0x7d: {  	_ =	shalt  }
0x7e: {  	_ =	shalt  }
0x7f: {  	_ =	shalt  }
0x80: {  	_ =	shalt  }
0x81: {  	_ =	shalt  }
0x82: {  	_ =	shalt  }
0x83: {  	_ =	shalt  }
0x84: {  	_ =	shalt  }
0x85: {  	_ =	shalt  }
0x86: {  	_ =	shalt  }
0x87: {  	_ =	shalt  }
.Lfunc_end0:
.L_simem_size_0:
called_computation.3_lowered:
.L_overlay_start_0:
0x88: {  	s2 =	sld [smem:$0x3FD9]  }
0x89: {  	s3 =	sld [smem:$0x3FFE];
	_ =	sdelay $0x1  }
0x8a: {  	s1 =	srdreg.scid  }
0x8b: {  	s0 =	sand.u32 $0x1, s1  }
0x8c: {  	s16 =	sshll.u32 s0, $0xA;
	s2 =	sadd.s32 s3, s2  }
0x8d: {  	s2 =	sadd.s32 s2, s16  }
0x8e: {  	[smem:$0x3FBB] =	sst s2  }
0x8f: {  	_ = 	snop  }
0x90: {  	(tm) =	ssettm $0x1  }
0x91: {  	s17 =	sld [smem:$0x3FFB];
	_ =	sdelay $0x3  }
0x92: {  	_ =	strace s17  }
0x93: {  	s2 =	sld [smem:$0x3FFC];
	_ =	sdelay $0x3  }
0x94: {  	_ =	strace s2  }
0x95: {  	s2 =	sld [smem:$0x3FFD];
	_ =	sdelay $0x3  }
0x96: {  	_ =	strace s2  }
0x97: {  	_ =	strace $0x8FFFFFFF  }
0x98: {  	s18 =	sld [smem:$0x3FDB];
	_ =	sdelay $0x1  }
0x99: {  	s19 =	simm.s32 $_scs_section_size  }
0x9a: {  	s4 =	simm.s32 $_size__tile_overlayer_lowered;
	s5 =	simm.s32 $_tile_overlayer_lowered  }
0x9b: {  	s22 =	simm.s32 $0x1BFF;
	s21 =	sshll.u32 s5, $0x1;
	s2 =	sadd.s32 s19, s18  }
0x9c: {  	s6 =	simm.s32 $0x0;
	s20 =	sshll.u32 s4, $0x1;
	s4 =	sadd.s32 s21, s2  }
0x9d: {  	[timem:s6], [sflag:s22] =	dma.local [hbm:s4], s20  }
0x9e: {  	_ =	swait.ge [sflag:s22], s20  }
0x9f: {  	s3 =	ssub.s32 $0x0, s20;
	[sflag:s22] =	ssyncset.done $0x0  }
0xa0: {  	[sflag:s22] =	ssyncadd.s32 s3;
	_ =	sdelay $0x1  }
0xa1: {  	s23 =	simm.s32 $0x1B8B  }
0xa2: {  	_ =	swait.ge [sflag:s23], $0x1  }
0xa3: {  	[sflag:s23] =	ssyncset.done $0x0  }
0xa4: {  	s25 =	simm.s32 $0x1B8E;
	s24 =	sld [smem:$0x3FFE];
	[sflag:s23] =	ssyncadd.s32 $0xFFFFFFFF  }
0xa5: {  	s26 =	simm.s32 $execute0_lowered;
	[smem:$0x3FD2] =	sst s25  }
0xa6: {  	s4 =	sshll.u32 s26, $0x1;
	_ =	strace $0x8000004F;
	[dreg:$0x1] =	wrdreg $0xFFFFFFFF  }
0xa7: {  	s28 =	simm.s32 $_size_execute0_lowered;
	s2 =	sadd.s32 s2, s4;
	[dreg:$0x0] =	wrdreg $0x0  }
0xa8: {  	s4 =	sshll.u32 s28, $0x1;
	[dreg:$0x2] =	wrdreg s2  }
0xa9: {  	[dreg:$0x3] =	wrdreg s4  }
0xaa: {  	[dreg:$0x4] =	wrdreg $0xC0  }
0xab: {  	_ =	task [dreg:s6], $0x5FFFF  }
0xac: {  	[dreg:$0x1] =	wrdreg $0xFFFFFFFF  }
0xad: {  	[dreg:$0x0] =	wrdreg $0x60  }
0xae: {  	[dreg:$0x2] =	wrdreg s24  }
0xaf: {  	[dreg:$0x3] =	wrdreg $0x9  }
0xb0: {  	_ =	task.clear_ibuf [dreg:s6], $0x4FFFF;
	_ =	strace $0x9000004F  }
0xb1: {  	s29 =	simm.s32 $0x9;
	_ =	strace $0x80000051  }
0xb2: {  	_ =	swait.ge [sflag:s29], $0x1  }
0xb3: {  	[sflag:s29] =	ssyncadd.s32 $0xFFFFFFFF  }
0xb4: {  	_ =	strace $0x90000051  }
0xb5: {  	_ =	sfence  }
0xb6: {  	s30 =	sld [smem:$0x0];
	_ =	sdelay $0x2  }
0xb7: {  	s31 =	sshll.u32 s1, $0xD;
	s1 =	sshrl.u32 s1, $0x2  }
0xb8: {  	s3 =	sand.u32 $0x4000, s31;
	s1 =	sadd.s32 s1, s30  }
0xb9: {  	s0 =	sor.u32 s3, s0;
	s1 =	sshll.u32 s1, $0x11  }
0xba: {  	s0 =	sor.u32 s1, s0  }
0xbb: {  	s0 =	sadd.s32 $0x8F2B, s0  }
0xbc: {  	[sflag:s0] =	ssyncadd.remote.s32 $0x1  }
0xbd: {  	_ =	sfence.sel $0xFFFF  }
0xbe: {  	[dreg:$0x0] =	wrdreg $0xFFFFFFFF;
	(pc) =	sbr.abs _section_cstart, $3  }
0xbf: {  	[dreg:$0x1] =	wrdreg $0xFFFFFFFF  }
0xc0: {  	_ =	task.clear_ibuf [dreg:s6], $0x2FFFF;
	_ =	strace $0x9FFFFFFF  }
0xc1: {  	(tm) =	ssettm $0x7FFFFFFF  }
tec
execute0_lowered:
.L_overlay_start_1:
0x0: {  	(tag) =	ssettag $0x1  }
0x1: {  	s7 =	rddreg [dreg:$0x0]  }
0x2: {  	s0 =	rddreg [dreg:$0x1];
	_ =	strace $0x80000050  }
0x3: {  	s1 =	srdreg.scid;
	s4 =	simm.s32 $0x1;
	s9 =	simm.s32 $0x3  }
0x4: {  	s12 =	simm.s32 $0x0;
	s10 =	simm.s32 $0x0;
	s5 =	sshll.u32 s1, $0x4  }
.Ltmp0:
0x5: {  	s1 =	stileid.u32;
	s5 =	sand.u32 $0x10, s5;
	(pc) =	sbr.rel .LBB2_1-.Ltmp0, $4  }
0x6: {  	s2 =	sadd.s32 $0x101E00, s7;
	s3 =	sadd.s32 $0x101C00, s7;
	s6 =	sor.u32 s1, s5  }
0x7: {  	[sflag:s4] =	ssyncpa.u1 $0x0;
	s5 =	simm.s32 $0x2;
	s6 =	sshll.u32 s6, $0x6  }
0x8: {  	s7 =	sadd.s32 $0x141E00, s7;
	[sflag:s5] =	ssyncpa.u1 $0x0;
	s8 =	sadd.s32 $0x40, s6  }
0x9: {  	vm0 =	vmmov $0xff;
	vm1 =	vcmask $0x3F20;
	[sflag:s9] =	ssyncpa.u1 $0x0;
	s9 =	simm.s32 $0x40;
	s11 =	smov.u32 s6  }
.LBB2_11:
0xa: {  	p0 =	seq.s32 s10, $0x2  }
.Ltmp1:
0xb: {  	_ = 	snop;
	(pc) =	sbr.rel @p0 .LBB2_13-.Ltmp1, $1  }
0xc: {  	_ =	sdelay $0x3  }
.LBB2_12:
0xd: {  	s12 =	sadd.s32 $0x40, s11  }
0xe: {  	s13 =	smov.u32 s6;
	p0 =	slt.s32 s12, s8  }
0xf: {  	s13 =	smov.u32 @p0 s12  }
0x10: {  	s10 =	sadd.s32 $0x1, s10;
	s12 =	smov.u32 s11;
	s11 =	smov.u32 s13  }
.LBB2_1:
0x11: {  	p0 =	sne.s32 s10, $0x0  }
.Ltmp2:
0x12: {  	_ = 	snop;
	(pc) =	sbr.rel @!p0 .LBB2_2-.Ltmp2, $1  }
0x13: {  	_ =	sdelay $0x3  }
0x14: {  	s13 =	sand.u32 $0x1, s10  }
0x15: {  	p0 =	seq.s32 s13, $0x0  }
.Ltmp3:
0x16: {  	_ = 	snop;
	(pc) =	sbr.rel @p0 .LBB2_11-.Ltmp3, $1  }
0x17: {  	_ =	sdelay $0x3  }
0x18: {  	_ =	swait.ge [sflag:s5], $0x40  }
0x19: {  	[sflag:s5] =	ssyncset.done $0x0  }
0x1a: {  	s13 =	simm.s32 $0x0;
	s14 =	simm.s32 $0x80;
	[sflag:s5] =	ssyncadd.s32 $0xFFFFFFC0  }
.LBB2_5:
0x1b: {  	s15 =	sshll.u32 s13, $0x4  }
0x1c: {  	s15 =	sand.u32 $0x3FFFFFF0, s15  }
0x1d: {  	v0 =	vld.msk [tilespmem:s15+$0x40 ss:$0x1], $0xffff;
	_ =	sdelay $0x4  }
0x1e: {  	v1 =	vshrl.u32 v0, $0x3  }
0x1f: {  	vm2 =	veq.s32 v0, $0x80000000;
	v1 =	vand.u32 $0x1FF, v1  }
0x20: {  	v0 =	vshll.u32 v0, $0x12;
	v1 =	vsel vm2, $0xFFFFFFFF, v1  }
0x21: {  	v0 =	vand.u32 $0x1C0000, v0;
	v2 =	vshll.u32 v1, $0x9  }
0x22: {  	v0 =	vsel vm2, $0xFFFC0000, v0;
	v1 =	vshll.u32 v1, $0x7;
	v2 =	vand.u32 $0xFFFFF000, v2  }
0x23: {  	v1 =	vand.u32 $0x380, v1;
	v0 =	vadd.s32 v0, v2  }
0x24: {  	v0 =	vor.u32 v1, v0  }
0x25: {  	v0 =	vshrl.u32 v0, $0x3;
	_ =	sdelay $0x2  }
0x26: {  	s16 =	sadd.s32 $0xFFFFF000, s14  }
0x27: {  	s31 =	sadd.s32 $0x9000, s16;
	s16 =	sadd.s32 $0xA000, s16;
	s15 =	simm.s32 $0xFFFFD000  }
0x28: {  	v1 =	vadd.s32 $0x80, v0;
	[tilespmem:s31], [sflag:$0x1] =	stream.indirect_vreg.gather [hbm:s2], $0x80, v0, vm0, $0x38;
	[tilespmem:$0x10080] =	vst v63  }
.LBB2_6:
0x29: {  	[tilespmem:s16], [sflag:$0x1] =	stream.indirect_vreg.gather [hbm:s2], $0x80, v0, vm1, $0x38;
	[tilespmem:$0x10080] =	vst v63  }
0x2a: {  	v0 =	vmov v1;
	p0 =	sne.s32 s15, $0xFFFFF000  }
.Ltmp4:
0x2b: {  	s16 =	sshra.s32 s15, $0x2;
	(pc) =	sbr.rel @p0 .LBB2_6-.Ltmp4, $4  }
0x2c: {  	s15 =	sadd.s32 $0x1000, s15;
	s16 =	sadd.s32 s16, s14  }
0x2d: {  	s17 =	sadd.s32 $0x9000, s16  }
0x2e: {  	[tilespmem:s17], [sflag:$0x1] =	stream.indirect_vreg.gather [hbm:s2], $0x80, v1, vm0, $0x38;
	[tilespmem:$0x10080] =	vst v63  }
0x2f: {  	s16 =	sadd.s32 $0xA000, s16;
	v1 =	vadd.s32 $0x80, v1  }
0x30: {  	s13 =	sadd.s32 $0x1, s13  }
0x31: {  	p0 =	sne.s32 s13, $0x4  }
.Ltmp5:
0x32: {  	_ = 	snop;
	(pc) =	sbr.rel @p0 .LBB2_5-.Ltmp5, $3  }
0x33: {  	_ =	sdelay $0x1  }
0x34: {  	[tilespmem:s16], [sflag:$0x1] =	stream.indirect_vreg.gather [hbm:s2], $0x80, v0, vm1, $0x38;
	[tilespmem:$0x10080] =	vst v63  }
0x35: {  	s14 =	sadd.s32 $0x2000, s14  }
0x36: {  	s13 =	sshll.u32 s12, $0x6  }
0x37: {  	_ =	swait.ge [sflag:s4], $0x8000;
	s31 =	sshll.u32 s12, $0x4;
	s13 =	sand.u32 $0xFFFFFE00, s13  }
0x38: {  	s14 =	simm.s32 $0x200;
	s12 =	sand.u32 $0x70, s31;
	s13 =	sadd.s32 s13, s7  }
0x39: {  	s15 =	simm.s32 $0x9080;
	[sflag:s4] =	ssyncset.done $0x0;
	s12 =	sadd.s32 s12, s13  }
0x3a: {  	[sflag:s4] =	ssyncadd.s32 $0xFFFF8000;
	s13 =	simm.s32 $0x8080;
	s16 =	sadd.s32 $0x0, s12  }
.LBB2_9:
0x3b: {  	[hbm:s16] =	stream.linear.scatter [tilespmem:s13], [sflag:$0x3], $0x1000, $0x38;
	[tilespmem:$0x10080] =	vst v63  }
0x3c: {  	s16 =	smov.u32 s14;
	s13 =	smov.u32 s15;
	p0 =	sne.s32 s14, $0xE00  }
.Ltmp6:
0x3d: {  	s14 =	sadd.s32 $0x200, s14;
	(pc) =	sbr.rel @p0 .LBB2_9-.Ltmp6, $2  }
0x3e: {  	_ =	sdelay $0x2  }
0x3f: {  	s15 =	sadd.s32 $0x1000, s15;
	s16 =	sadd.s32 s16, s12  }
.Ltmp7:
0x40: {  	(pc) =	sbr.rel .LBB2_11-.Ltmp7, $2  }
0x41: {  	_ =	sdelay $0x2  }
0x42: {  	[hbm:s16] =	stream.linear.scatter [tilespmem:s13], [sflag:$0x3], $0x1000, $0x38;
	[tilespmem:$0x10080] =	vst v63  }
.LBB2_2:
.Ltmp8:
0x43: {  	(pc) =	sbr.rel .LBB2_12-.Ltmp8, $4  }
0x44: {  	_ = 	snop  }
0x45: {  	s12 =	sshrl.u32 s11, $0x3  }
0x46: {  	s13 =	sand.u32 $0x7, s11;
	s12 =	sadd.s32 s3, s12  }
0x47: {  	[tilespmem:s9], [sflag:$0x2] =	stream.linear.gather [hbm4b:s12+s13], $0x40, $0x38;
	[tilespmem:$0x10080] =	vst v63  }
.LBB2_13:
0x48: {  	s2 =	simm.s32 $0x3  }
0x49: {  	_ =	swait.ge [sflag:s2], $0x8000  }
0x4a: {  	[sflag:s2] =	ssyncset.done $0x0  }
0x4b: {  	[sflag:s2] =	ssyncadd.s32 $0xFFFF8000  }
0x4c: {  	_ =	sfence.sel $0x180000  }
0x4d: {  	s3 =	simm.s32 $0x2;
	[bflag:$0x0] =	sbarrier.arrive $0xFFFF  }
0x4e: {  	[sflag:s3] =	ssyncpa.u1 $0x1  }
0x4f: {  	s31 =	simm.s32 $0x1;
	[sflag:s2] =	ssyncpa.u1 $0x1  }
0x50: {  	[sflag:s31] =	ssyncpa.u1 $0x1  }
0x51: {  	p0 =	sne.s32 s1, $0x0;
	_ =	strace $0x90000050  }
0x52: {  	s0 =	sadd.s32 @!p0 $0x100000, s0;
	[bflag:$0x2] =	sbarrier.arrive $0xFFFF  }
0x53: {  	[sflag:s0] =	ssyncadd.tile.s32 @!p0 $0x1;
	_ =	shalt  }
.Lfunc_end2:
_tile_overlayer_lowered:
.L_overlay_start_2:
0x54: {  	(tag) =	ssettag $0x2  }
0x55: {  	s0 =	rddreg [dreg:$0x0];
	s2 =	stileid.u32  }
0x56: {  	s1 =	rddreg [dreg:$0x1];
	p0 =	sne.s32 s2, $0x0  }
0x57: {  	s3 =	rddreg [dreg:$0x2];
	[bflag:$0x3] =	sbarrier.arrive $0xFFFF;
	s2 =	simm.s32 @!p0 $0x1C01  }
0x58: {  	[timem:s3], [sflag:s2] =	dma.local @!p0 [hbm:s0], s1  }
0x59: {  	s0 =	simm.s32 @!p0 $0x1  }
0x5a: {  	_ =	swait.ge @!p0 [sflag:s0], s1  }
0x5b: {  	s1 =	ssub.s32 @!p0 $0x0, s1;
	[sflag:s0] =	ssyncset.done @!p0 $0x0  }
0x5c: {  	[sflag:s0] =	ssyncadd.s32 @!p0 s1  }
0x5d: {  	[bflag:$0x3] =	sbarrier.arrive $0xFFFF  }
0x5e: {  	_ =	shalt  }

// kernel: gather_offload_async_start.4
scs
__scs_entry_jumppad:
0x0: {  	(pc) =	sbr.rel $0x88, $3  }
0x1: {  	(tag) =	ssettag $0x0;
	lr =	simm.s32 $0x1  }
0x2: {  	[smem:$0x3F94] =	sst lr;
	_ =	strace $0xD0000000  }
0x3: {  	_ = 	snop  }
0x4: {  	_ = 	snop  }
0x5: {  	_ = 	snop  }
0x6: {  	_ = 	snop  }
0x7: {  	_ = 	snop  }
__scs_overlays_trampoline_lowered:
0x8: {  	[smem:$0x3FA3] =	sst s0  }
0x9: {  	[smem:$0x3FA4] =	sst s1  }
0xa: {  	[smem:$0x3FA5] =	sst s2  }
0xb: {  	[smem:$0x3FA6] =	sst s3  }
0xc: {  	[smem:$0x3FA7] =	sst s4  }
0xd: {  	[smem:$0x3FA8] =	sst s5  }
0xe: {  	[smem:$0x3FA9] =	sst s6  }
0xf: {  	[smem:$0x3FAA] =	sst s7  }
0x10: {  	[smem:$0x3FAB] =	sst s8  }
0x11: {  	[smem:$0x3FAC] =	sst s9;
	s0 =	simm.s32 @!p0 $0x0  }
0x12: {  	s1 =	sld [smem:$0x3F92];
	s0 =	simm.s32 @p0 $0x1  }
0x13: {  	[smem:$0x3FAD] =	sst s0;
	s0 =	simm.s32 @!p1 $0x0  }
0x14: {  	s2 =	sld [smem:$0x3F91];
	s0 =	simm.s32 @p1 $0x1  }
0x15: {  	[smem:$0x3FAE] =	sst s0;
	s0 =	simm.s32 @!p2 $0x0  }
0x16: {  	s3 =	sld [smem:$0x3FDB];
	s0 =	simm.s32 @p2 $0x1  }
0x17: {  	s4 =	simm.s32 $0x1BF5;
	[smem:$0x3FB0] =	sst s0  }
0x18: {  	s0 =	sld [smem:$0x3F93];
	_ =	swait.ge [sflag:s4], $0x0  }
0x19: {  	s7 =	sld [smem:$0x3F94]  }
0x1a: {  	s8 =	sadd.s32 $0xFFFFE003, lr  }
0x1b: {  	s9 =	sadd.s32 $0xFFFFFEF7, lr;
	s5 =	simm.s32 $0xFFFFFFFF;
	p2 =	slt.u32 s8, $0xFFFFF086  }
0x1c: {  	p1 =	slt.u32 s9, $0xF7A;
	s5 =	simm.s32 @!p2 $0x0  }
0x1d: {  	s5 =	simm.s32 @p1 $0x1;
	p0 =	seq.s32 s7, s2  }
0x1e: {  	s7 =	smul.u32 @!p0 $0xF7A, s2;
	p2 =	seq.s32 @!p0 s5, $0x0  }
0x1f: {  	s9 =	smul.u32 $0xF7A, s1;
	s8 =	simm.s32 @!p0 $0x1BF5;
	p2 =	por !p2, p0  }
0x20: {  	[sflag:s8] =	ssyncset.s32 @!p0 $0xFFFFF086;
	s6 =	sadd.s32 @!p0 s3, s7;
	s7 =	simm.s32 @!p0 $0x108  }
0x21: {  	s3 =	sadd.s32 s3, s9;
	s6 =	sadd.s32 @!p0 $0x88, s6;
	s7 =	simm.s32 @p2 $0x1082  }
0x22: {  	[simem:s7], [sflag:s8] =	dma.local @!p0 [hbm:s6], $0xF7A  }
0x23: {  	s9 =	sor.u32 $0xD0000000, s2;
	s6 =	simm.s32 $0x108;
	_ =	swait.ge @!p0 [sflag:s8], $0x0  }
0x24: {  	s3 =	sadd.s32 $0x88, s3;
	s6 =	simm.s32 @!p1 $0x1082;
	[sflag:s4] =	ssyncset.s32 $0xFFFFF086  }
0x25: {  	[simem:s6], [sflag:s4] =	dma.local [hbm:s3], $0xF7A  }
0x26: {  	[smem:$0x3F94] =	sst s1;
	(tag) =	ssettag s2;
	_ =	strace s9  }
0x27: {  	s1 =	sld [smem:$0x3FA4]  }
0x28: {  	s2 =	sld [smem:$0x3FA5]  }
0x29: {  	s4 =	sld [smem:$0x3FA7]  }
0x2a: {  	p0 =	seq.s32 s5, $0x0;
	s5 =	sld [smem:$0x3FA8]  }
0x2b: {  	s6 =	sld [smem:$0x3FA9]  }
0x2c: {  	s7 =	sld [smem:$0x3FAA]  }
0x2d: {  	s3 =	simm.s32 $0x108;
	s8 =	sld [smem:$0x3FAB]  }
0x2e: {  	s3 =	simm.s32 @!p0 $0x1082;
	s9 =	sld [smem:$0x3FAC]  }
0x2f: {  	lr =	sadd.s32 s0, s3;
	s0 =	sld [smem:$0x3FA3]  }
0x30: {  	s3 =	sld [smem:$0x3FA6]  }
0x31: {  	[smem:$0x3FAF] =	sst s10  }
0x32: {  	s10 =	sld [smem:$0x3FAD];
	_ =	sdelay $0x3  }
0x33: {  	p0 =	seq.s32 s10, $0x1;
	s10 =	sld [smem:$0x3FAF];
	_ =	sdelay $0x3  }
0x34: {  	[smem:$0x3FAF] =	sst s10  }
0x35: {  	s10 =	sld [smem:$0x3FAE];
	_ =	sdelay $0x3  }
0x36: {  	p1 =	seq.s32 s10, $0x1;
	s10 =	sld [smem:$0x3FAF];
	_ =	sdelay $0x3  }
0x37: {  	[smem:$0x3FAF] =	sst s10  }
0x38: {  	s10 =	sld [smem:$0x3FB0]  }
0x39: {  	_ = 	snop;
	(pc) =	sbr.ind lr, $3  }
0x3a: {  	_ = 	snop  }
0x3b: {  	_ = 	snop  }
0x3c: {  	p2 =	seq.s32 s10, $0x1;
	s10 =	sld [smem:$0x3FAF]  }
0x3d: {  	_ =	shalt  }
0x3e: {  	_ =	shalt  }
0x3f: {  	_ =	shalt  }
0x40: {  	_ =	shalt  }
0x41: {  	_ =	shalt  }
0x42: {  	_ =	shalt  }
0x43: {  	_ =	shalt  }
0x44: {  	_ =	shalt  }
0x45: {  	_ =	shalt  }
0x46: {  	_ =	shalt  }
0x47: {  	_ =	shalt  }
0x48: {  	_ =	shalt  }
0x49: {  	_ =	shalt  }
0x4a: {  	_ =	shalt  }
0x4b: {  	_ =	shalt  }
0x4c: {  	_ =	shalt  }
0x4d: {  	_ =	shalt  }
0x4e: {  	_ =	shalt  }
0x4f: {  	_ =	shalt  }
0x50: {  	_ =	shalt  }
0x51: {  	_ =	shalt  }
0x52: {  	_ =	shalt  }
0x53: {  	_ =	shalt  }
0x54: {  	_ =	shalt  }
0x55: {  	_ =	shalt  }
0x56: {  	_ =	shalt  }
0x57: {  	_ =	shalt  }
0x58: {  	_ =	shalt  }
0x59: {  	_ =	shalt  }
0x5a: {  	_ =	shalt  }
0x5b: {  	_ =	shalt  }
0x5c: {  	_ =	shalt  }
0x5d: {  	_ =	shalt  }
0x5e: {  	_ =	shalt  }
0x5f: {  	_ =	shalt  }
0x60: {  	_ =	shalt  }
0x61: {  	_ =	shalt  }
0x62: {  	_ =	shalt  }
0x63: {  	_ =	shalt  }
0x64: {  	_ =	shalt  }
0x65: {  	_ =	shalt  }
0x66: {  	_ =	shalt  }
0x67: {  	_ =	shalt  }
0x68: {  	_ =	shalt  }
0x69: {  	_ =	shalt  }
0x6a: {  	_ =	shalt  }
0x6b: {  	_ =	shalt  }
0x6c: {  	_ =	shalt  }
0x6d: {  	_ =	shalt  }
0x6e: {  	_ =	shalt  }
0x6f: {  	_ =	shalt  }
0x70: {  	_ =	shalt  }
0x71: {  	_ =	shalt  }
0x72: {  	_ =	shalt  }
0x73: {  	_ =	shalt  }
0x74: {  	_ =	shalt  }
0x75: {  	_ =	shalt  }
0x76: {  	_ =	shalt  }
0x77: {  	_ =	shalt  }
0x78: {  	_ =	shalt  }
0x79: {  	_ =	shalt  }
0x7a: {  	_ =	shalt  }
0x7b: {  	_ =	shalt  }
0x7c: {  	_ =	shalt  }
0x7d: {  	_ =	shalt  }
0x7e: {  	_ =	shalt  }
0x7f: {  	_ =	shalt  }
0x80: {  	_ =	shalt  }
0x81: {  	_ =	shalt  }
0x82: {  	_ =	shalt  }
0x83: {  	_ =	shalt  }
0x84: {  	_ =	shalt  }
0x85: {  	_ =	shalt  }
0x86: {  	_ =	shalt  }
0x87: {  	_ =	shalt  }
.Lfunc_end0:
.L_simem_size_0:
called_computation.4_lowered:
.L_overlay_start_0:
0x88: {  	s2 =	sld [smem:$0x3FD9]  }
0x89: {  	s3 =	sld [smem:$0x3FFE];
	_ =	sdelay $0x1  }
0x8a: {  	s1 =	srdreg.scid  }
0x8b: {  	s0 =	sand.u32 $0x1, s1  }
0x8c: {  	s17 =	sshll.u32 s0, $0xA;
	s2 =	sadd.s32 s3, s2  }
0x8d: {  	s2 =	sadd.s32 s2, s17  }
0x8e: {  	[smem:$0x3FBB] =	sst s2  }
0x8f: {  	_ = 	snop  }
0x90: {  	(tm) =	ssettm $0x1  }
0x91: {  	s18 =	sld [smem:$0x3FFB];
	_ =	sdelay $0x3  }
0x92: {  	_ =	strace s18  }
0x93: {  	s2 =	sld [smem:$0x3FFC];
	_ =	sdelay $0x3  }
0x94: {  	_ =	strace s2  }
0x95: {  	s2 =	sld [smem:$0x3FFD];
	_ =	sdelay $0x3  }
0x96: {  	_ =	strace s2  }
0x97: {  	_ =	strace $0x8FFFFFFF  }
0x98: {  	s19 =	sld [smem:$0x3FDB];
	_ =	sdelay $0x1  }
0x99: {  	s20 =	simm.s32 $_scs_section_size  }
0x9a: {  	s4 =	simm.s32 $_size__tile_overlayer_lowered;
	s5 =	simm.s32 $_tile_overlayer_lowered  }
0x9b: {  	s6 =	simm.s32 $0x1BFF;
	s21 =	sshll.u32 s5, $0x1;
	s3 =	sadd.s32 s20, s19  }
0x9c: {  	s22 =	simm.s32 $0x0;
	s4 =	sshll.u32 s4, $0x1;
	s5 =	sadd.s32 s21, s3  }
0x9d: {  	[timem:s22], [sflag:s6] =	dma.local [hbm:s5], s4  }
0x9e: {  	_ =	swait.ge [sflag:s6], s4  }
0x9f: {  	s4 =	ssub.s32 $0x0, s4;
	[sflag:s6] =	ssyncset.done $0x0  }
0xa0: {  	[sflag:s6] =	ssyncadd.s32 s4;
	_ =	sdelay $0x1  }
0xa1: {  	s23 =	simm.s32 $0x1B8B  }
0xa2: {  	_ =	swait.ge [sflag:s23], $0x1  }
0xa3: {  	[sflag:s23] =	ssyncset.done $0x0  }
0xa4: {  	[sflag:s23] =	ssyncadd.s32 $0xFFFFFFFF  }
0xa5: {  	s4 =	sld [smem:$0x0]  }
0xa6: {  	s5 =	sand.u32 $0xFFFFFFFE, s1  }
0xa7: {  	p0 =	sne.s32 s1, s5  }
0xa8: {  	s5 =	sshll.u32 @p0 s5, $0xE  }
0xa9: {  	s5 =	sadd.s32 @p0 $0x11B8D, s5;
	s6 =	sshll.u32 @p0 s4, $0x11  }
0xaa: {  	s5 =	sor.u32 @p0 s6, s5  }
0xab: {  	[sflag:s5] =	ssyncadd.remote.s32 @p0 $0x1;
	_ =	sdelay $0x1  }
0xac: {  	s5 =	simm.s32 @p0 $0x1B8D  }
0xad: {  	_ =	swait.eq @p0 [sflag:s5], $0x1  }
0xae: {  	[sflag:s5] =	ssyncadd.s32 @p0 $0xFFFFFFFF  }
0xaf: {  	s6 =	sshll.u32 @!p0 s1, $0xE  }
0xb0: {  	s6 =	sor.u32 @!p0 $0x4000, s6;
	s5 =	simm.s32 @!p0 $0x1B8D  }
0xb1: {  	s4 =	sshll.u32 @!p0 s4, $0x11;
	s6 =	sadd.s32 @!p0 $0x11B8D, s6;
	_ =	swait.eq @!p0 [sflag:s5], $0x1  }
0xb2: {  	s4 =	sor.u32 @!p0 s4, s6;
	[sflag:s5] =	ssyncadd.s32 @!p0 $0xFFFFFFFF  }
0xb3: {  	s25 =	simm.s32 $0x1B8E;
	s24 =	sld [smem:$0x3FFE];
	[sflag:s4] =	ssyncadd.remote.s32 @!p0 $0x1  }
0xb4: {  	s26 =	simm.s32 $execute0_lowered;
	[smem:$0x3FD2] =	sst s25  }
0xb5: {  	s5 =	sshll.u32 s26, $0x1;
	_ =	strace $0x80000055;
	[dreg:$0x1] =	wrdreg $0xFFFFFFFF  }
0xb6: {  	s28 =	simm.s32 $_size_execute0_lowered;
	s3 =	sadd.s32 s3, s5;
	[dreg:$0x0] =	wrdreg $0x0  }
0xb7: {  	s5 =	sshll.u32 s28, $0x1;
	[dreg:$0x2] =	wrdreg s3  }
0xb8: {  	[dreg:$0x3] =	wrdreg s5  }
0xb9: {  	[dreg:$0x4] =	wrdreg $0xC0  }
0xba: {  	_ =	task [dreg:s22], $0x5FFFF  }
0xbb: {  	[dreg:$0x1] =	wrdreg $0xFFFFFFFF  }
0xbc: {  	[dreg:$0x0] =	wrdreg $0x60  }
0xbd: {  	[dreg:$0x2] =	wrdreg s24  }
0xbe: {  	[dreg:$0x3] =	wrdreg $0x9  }
0xbf: {  	_ =	task.clear_ibuf [dreg:s22], $0x4FFFF;
	_ =	strace $0x90000055  }
0xc0: {  	s29 =	simm.s32 $0x9;
	_ =	strace $0x80000057  }
0xc1: {  	_ =	swait.ge [sflag:s29], $0x1  }
0xc2: {  	[sflag:s29] =	ssyncadd.s32 $0xFFFFFFFF  }
0xc3: {  	_ =	strace $0x90000057  }
0xc4: {  	_ =	sfence  }
0xc5: {  	s30 =	sld [smem:$0x0];
	_ =	sdelay $0x2  }
0xc6: {  	s31 =	sshll.u32 s1, $0xD;
	s1 =	sshrl.u32 s1, $0x2  }
0xc7: {  	s4 =	sand.u32 $0x4000, s31;
	s1 =	sadd.s32 s1, s30  }
0xc8: {  	s0 =	sor.u32 s4, s0;
	s1 =	sshll.u32 s1, $0x11  }
0xc9: {  	s0 =	sor.u32 s1, s0  }
0xca: {  	s0 =	sadd.s32 $0x8F2B, s0  }
0xcb: {  	[sflag:s0] =	ssyncadd.remote.s32 $0x1  }
0xcc: {  	_ =	sfence.sel $0xFFFF  }
0xcd: {  	[dreg:$0x0] =	wrdreg $0xFFFFFFFF;
	(pc) =	sbr.abs _section_cstart, $3  }
0xce: {  	[dreg:$0x1] =	wrdreg $0xFFFFFFFF  }
0xcf: {  	_ =	task.clear_ibuf [dreg:s22], $0x2FFFF;
	_ =	strace $0x9FFFFFFF  }
0xd0: {  	(tm) =	ssettm $0x7FFFFFFF  }
0xd1: {  	_ =	shalt  }
tec
execute0_lowered:
.L_overlay_start_1:
0x0: {  	(tag) =	ssettag $0x1  }
0x1: {  	s7 =	rddreg [dreg:$0x0]  }
0x2: {  	s0 =	rddreg [dreg:$0x1];
	_ =	strace $0x80000056  }
0x3: {  	s1 =	srdreg.scid;
	s4 =	simm.s32 $0x1;
	s9 =	simm.s32 $0x3  }
0x4: {  	s12 =	simm.s32 $0x0;
	s10 =	simm.s32 $0x0;
	s5 =	sshll.u32 s1, $0x4  }
.Ltmp0:
0x5: {  	s1 =	stileid.u32;
	s5 =	sand.u32 $0x10, s5;
	(pc) =	sbr.rel .LBB2_1-.Ltmp0, $4  }
0x6: {  	s2 =	sadd.s32 $0x141E00, s7;
	s3 =	sadd.s32 $0x101C00, s7;
	s6 =	sor.u32 s1, s5  }
0x7: {  	[sflag:s4] =	ssyncpa.u1 $0x0;
	s5 =	simm.s32 $0x2;
	s6 =	sshll.u32 s6, $0x6  }
0x8: {  	s7 =	sadd.s32 $0x161E00, s7;
	[sflag:s5] =	ssyncpa.u1 $0x0;
	s8 =	sadd.s32 $0x40, s6  }
0x9: {  	vm0 =	vmmov $0xff;
	vm1 =	vcmask $0x3F20;
	[sflag:s9] =	ssyncpa.u1 $0x0;
	s9 =	simm.s32 $0x40;
	s11 =	smov.u32 s6  }
.LBB2_10:
0xa: {  	[hbm:s16] =	stream.linear.scatter [tilespmem:s13], [sflag:$0x3], $0x800, $0x38;
	[tilespmem:$0x8080] =	vst v63  }
.LBB2_11:
0xb: {  	p0 =	seq.s32 s10, $0x2  }
.Ltmp1:
0xc: {  	_ = 	snop;
	(pc) =	sbr.rel @p0 .LBB2_13-.Ltmp1, $1  }
0xd: {  	_ =	sdelay $0x3  }
.LBB2_12:
0xe: {  	s12 =	sadd.s32 $0x40, s11  }
0xf: {  	s13 =	smov.u32 s6;
	p0 =	slt.s32 s12, s8  }
0x10: {  	s13 =	smov.u32 @p0 s12  }
0x11: {  	s10 =	sadd.s32 $0x1, s10;
	s12 =	smov.u32 s11;
	s11 =	smov.u32 s13  }
.LBB2_1:
0x12: {  	p0 =	sne.s32 s10, $0x0  }
.Ltmp2:
0x13: {  	_ = 	snop;
	(pc) =	sbr.rel @!p0 .LBB2_2-.Ltmp2, $1  }
0x14: {  	_ =	sdelay $0x3  }
0x15: {  	s13 =	sand.u32 $0x1, s10  }
0x16: {  	p0 =	seq.s32 s13, $0x0  }
.Ltmp3:
0x17: {  	_ = 	snop;
	(pc) =	sbr.rel @p0 .LBB2_11-.Ltmp3, $1  }
0x18: {  	_ =	sdelay $0x3  }
0x19: {  	_ =	swait.ge [sflag:s5], $0x40  }
0x1a: {  	[sflag:s5] =	ssyncset.done $0x0  }
0x1b: {  	s13 =	simm.s32 $0x0;
	[sflag:s5] =	ssyncadd.s32 $0xFFFFFFC0  }
.LBB2_5:
0x1c: {  	s14 =	sshll.u32 s13, $0x4  }
0x1d: {  	s14 =	sand.u32 $0x3FFFFFF0, s14  }
0x1e: {  	v0 =	vld.msk [tilespmem:s14+$0x40 ss:$0x1], $0xffff;
	_ =	sdelay $0x4  }
0x1f: {  	v1 =	vshrl.u32 v0, $0x3  }
0x20: {  	vm2 =	veq.s32 v0, $0x80000000;
	v1 =	vand.u32 $0x1FF, v1  }
0x21: {  	v0 =	vshll.u32 v0, $0x11;
	v1 =	vsel vm2, $0xFFFFFFFF, v1  }
0x22: {  	v0 =	vand.u32 $0xE0000, v0;
	v2 =	vshll.u32 v1, $0x8  }
0x23: {  	v0 =	vsel vm2, $0xFFFE0000, v0;
	v1 =	vshll.u32 v1, $0x7;
	v2 =	vand.u32 $0xFFFFF800, v2  }
0x24: {  	s31 =	sshll.u32 s13, $0xC;
	v1 =	vand.u32 $0x380, v1;
	v0 =	vadd.s32 v0, v2  }
0x25: {  	s14 =	sand.u32 $0x3FFFF000, s31;
	v0 =	vor.u32 v1, v0  }
0x26: {  	p0 =	por $0x1, $0x1;
	s15 =	simm.s32 $0x0;
	s14 =	sadd.s32 $0x4080, s14;
	v0 =	vshrl.u32 v0, $0x3  }
.LBB2_6:
0x27: {  	_ =	sdelay $0x1  }
0x28: {  	s15 =	sshra.s32 s15, $0x2;
	p1 =	por p0, p0  }
.Ltmp4:
0x29: {  	s15 =	sadd.s32 s15, s14;
	(pc) =	sbr.rel @p1 .LBB2_6-.Ltmp4, $4  }
0x2a: {  	[tilespmem:s15], [sflag:$0x1] =	stream.indirect_vreg.gather [hbm:s2], $0x80, v0, vm0, $0x38;
	[tilespmem:$0x8080] =	vst v63  }
0x2b: {  	s15 =	sadd.s32 $0x800, s15  }
0x2c: {  	[tilespmem:s15], [sflag:$0x1] =	stream.indirect_vreg.gather [hbm:s2], $0x80, v0, vm1, $0x38;
	[tilespmem:$0x8080] =	vst v63  }
0x2d: {  	p0 =	por $0x0, $0x0;
	v0 =	vadd.s32 $0x80, v0;
	s15 =	simm.s32 $0x1000  }
0x2e: {  	s13 =	sadd.s32 $0x1, s13  }
0x2f: {  	p0 =	sne.s32 s13, $0x4  }
.Ltmp5:
0x30: {  	_ = 	snop;
	(pc) =	sbr.rel @p0 .LBB2_5-.Ltmp5, $1  }
0x31: {  	_ =	sdelay $0x3  }
0x32: {  	s13 =	sshll.u32 s12, $0x5  }
0x33: {  	_ =	swait.ge [sflag:s4], $0x4000;
	s31 =	sshll.u32 s12, $0x4;
	s13 =	sand.u32 $0xFFFFFF00, s13  }
0x34: {  	s14 =	simm.s32 $0x100;
	s12 =	sand.u32 $0x70, s31;
	s13 =	sadd.s32 s13, s7  }
0x35: {  	s15 =	simm.s32 $0x4880;
	[sflag:s4] =	ssyncset.done $0x0;
	s12 =	sadd.s32 s12, s13  }
0x36: {  	[sflag:s4] =	ssyncadd.s32 $0xFFFFC000;
	s13 =	simm.s32 $0x4080;
	s16 =	sadd.s32 $0x0, s12  }
.LBB2_9:
0x37: {  	[hbm:s16] =	stream.linear.scatter [tilespmem:s13], [sflag:$0x3], $0x800, $0x38;
	[tilespmem:$0x8080] =	vst v63  }
0x38: {  	s16 =	smov.u32 s14;
	s13 =	smov.u32 s15;
	p0 =	sne.s32 s14, $0x700  }
.Ltmp6:
0x39: {  	s14 =	sadd.s32 $0x100, s14;
	(pc) =	sbr.rel @p0 .LBB2_9-.Ltmp6, $2  }
0x3a: {  	_ =	sdelay $0x2  }
0x3b: {  	s15 =	sadd.s32 $0x800, s15;
	s16 =	sadd.s32 s16, s12  }
.Ltmp7:
0x3c: {  	_ = 	snop;
	(pc) =	sbr.rel .LBB2_10-.Ltmp7, $1  }
0x3d: {  	_ =	sdelay $0x3  }
.LBB2_2:
.Ltmp8:
0x3e: {  	(pc) =	sbr.rel .LBB2_12-.Ltmp8, $4  }
0x3f: {  	_ = 	snop  }
0x40: {  	s12 =	sshrl.u32 s11, $0x3  }
0x41: {  	s13 =	sand.u32 $0x7, s11;
	s12 =	sadd.s32 s3, s12  }
0x42: {  	[tilespmem:s9], [sflag:$0x2] =	stream.linear.gather [hbm4b:s12+s13], $0x40, $0x38;
	[tilespmem:$0x8080] =	vst v63  }
.LBB2_13:
0x43: {  	s2 =	simm.s32 $0x3  }
0x44: {  	_ =	swait.ge [sflag:s2], $0x4000  }
0x45: {  	[sflag:s2] =	ssyncset.done $0x0  }
0x46: {  	[sflag:s2] =	ssyncadd.s32 $0xFFFFC000  }
0x47: {  	_ =	sfence.sel $0x180000  }
0x48: {  	s3 =	simm.s32 $0x2;
	[bflag:$0x0] =	sbarrier.arrive $0xFFFF  }
0x49: {  	[sflag:s3] =	ssyncpa.u1 $0x1  }
0x4a: {  	s31 =	simm.s32 $0x1;
	[sflag:s2] =	ssyncpa.u1 $0x1  }
0x4b: {  	[sflag:s31] =	ssyncpa.u1 $0x1  }
0x4c: {  	p0 =	sne.s32 s1, $0x0;
	_ =	strace $0x90000056  }
0x4d: {  	s0 =	sadd.s32 @!p0 $0x100000, s0;
	[bflag:$0x2] =	sbarrier.arrive $0xFFFF  }
0x4e: {  	[sflag:s0] =	ssyncadd.tile.s32 @!p0 $0x1;
	_ =	shalt  }
.Lfunc_end2:
_tile_overlayer_lowered:
.L_overlay_start_2:
0x4f: {  	(tag) =	ssettag $0x2  }
0x50: {  	s0 =	rddreg [dreg:$0x0];
	s2 =	stileid.u32  }
0x51: {  	s1 =	rddreg [dreg:$0x1];
	p0 =	sne.s32 s2, $0x0  }
0x52: {  	s3 =	rddreg [dreg:$0x2];
	[bflag:$0x3] =	sbarrier.arrive $0xFFFF;
	s2 =	simm.s32 @!p0 $0x1C01  }
0x53: {  	[timem:s3], [sflag:s2] =	dma.local @!p0 [hbm:s0], s1  }
0x54: {  	s0 =	simm.s32 @!p0 $0x1  }
0x55: {  	_ =	swait.ge @!p0 [sflag:s0], s1  }
0x56: {  	s1 =	ssub.s32 @!p0 $0x0, s1;
	[sflag:s0] =	ssyncset.done @!p0 $0x0  }
0x57: {  	[sflag:s0] =	ssyncadd.s32 @!p0 s1  }
0x58: {  	[bflag:$0x3] =	sbarrier.arrive $0xFFFF  }
0x59: {  	_ =	shalt  }

// kernel: gather_offload_async_start.5
scs
__scs_entry_jumppad:
0x0: {  	(pc) =	sbr.rel $0x88, $3  }
0x1: {  	(tag) =	ssettag $0x0;
	lr =	simm.s32 $0x1  }
0x2: {  	[smem:$0x3F94] =	sst lr;
	_ =	strace $0xD0000000  }
0x3: {  	_ = 	snop  }
0x4: {  	_ = 	snop  }
0x5: {  	_ = 	snop  }
0x6: {  	_ = 	snop  }
0x7: {  	_ = 	snop  }
__scs_overlays_trampoline_lowered:
0x8: {  	[smem:$0x3FA3] =	sst s0  }
0x9: {  	[smem:$0x3FA4] =	sst s1  }
0xa: {  	[smem:$0x3FA5] =	sst s2  }
0xb: {  	[smem:$0x3FA6] =	sst s3  }
0xc: {  	[smem:$0x3FA7] =	sst s4  }
0xd: {  	[smem:$0x3FA8] =	sst s5  }
0xe: {  	[smem:$0x3FA9] =	sst s6  }
0xf: {  	[smem:$0x3FAA] =	sst s7  }
0x10: {  	[smem:$0x3FAB] =	sst s8  }
0x11: {  	[smem:$0x3FAC] =	sst s9;
	s0 =	simm.s32 @!p0 $0x0  }
0x12: {  	s1 =	sld [smem:$0x3F92];
	s0 =	simm.s32 @p0 $0x1  }
0x13: {  	[smem:$0x3FAD] =	sst s0;
	s0 =	simm.s32 @!p1 $0x0  }
0x14: {  	s2 =	sld [smem:$0x3F91];
	s0 =	simm.s32 @p1 $0x1  }
0x15: {  	[smem:$0x3FAE] =	sst s0;
	s0 =	simm.s32 @!p2 $0x0  }
0x16: {  	s3 =	sld [smem:$0x3FDB];
	s0 =	simm.s32 @p2 $0x1  }
0x17: {  	s4 =	simm.s32 $0x1BF5;
	[smem:$0x3FB0] =	sst s0  }
0x18: {  	s0 =	sld [smem:$0x3F93];
	_ =	swait.ge [sflag:s4], $0x0  }
0x19: {  	s7 =	sld [smem:$0x3F94]  }
0x1a: {  	s8 =	sadd.s32 $0xFFFFE003, lr  }
0x1b: {  	s9 =	sadd.s32 $0xFFFFFEF7, lr;
	s5 =	simm.s32 $0xFFFFFFFF;
	p2 =	slt.u32 s8, $0xFFFFF086  }
0x1c: {  	p1 =	slt.u32 s9, $0xF7A;
	s5 =	simm.s32 @!p2 $0x0  }
0x1d: {  	s5 =	simm.s32 @p1 $0x1;
	p0 =	seq.s32 s7, s2  }
0x1e: {  	s7 =	smul.u32 @!p0 $0xF7A, s2;
	p2 =	seq.s32 @!p0 s5, $0x0  }
0x1f: {  	s9 =	smul.u32 $0xF7A, s1;
	s8 =	simm.s32 @!p0 $0x1BF5;
	p2 =	por !p2, p0  }
0x20: {  	[sflag:s8] =	ssyncset.s32 @!p0 $0xFFFFF086;
	s6 =	sadd.s32 @!p0 s3, s7;
	s7 =	simm.s32 @!p0 $0x108  }
0x21: {  	s3 =	sadd.s32 s3, s9;
	s6 =	sadd.s32 @!p0 $0x88, s6;
	s7 =	simm.s32 @p2 $0x1082  }
0x22: {  	[simem:s7], [sflag:s8] =	dma.local @!p0 [hbm:s6], $0xF7A  }
0x23: {  	s9 =	sor.u32 $0xD0000000, s2;
	s6 =	simm.s32 $0x108;
	_ =	swait.ge @!p0 [sflag:s8], $0x0  }
0x24: {  	s3 =	sadd.s32 $0x88, s3;
	s6 =	simm.s32 @!p1 $0x1082;
	[sflag:s4] =	ssyncset.s32 $0xFFFFF086  }
0x25: {  	[simem:s6], [sflag:s4] =	dma.local [hbm:s3], $0xF7A  }
0x26: {  	[smem:$0x3F94] =	sst s1;
	(tag) =	ssettag s2;
	_ =	strace s9  }
0x27: {  	s1 =	sld [smem:$0x3FA4]  }
0x28: {  	s2 =	sld [smem:$0x3FA5]  }
0x29: {  	s4 =	sld [smem:$0x3FA7]  }
0x2a: {  	p0 =	seq.s32 s5, $0x0;
	s5 =	sld [smem:$0x3FA8]  }
0x2b: {  	s6 =	sld [smem:$0x3FA9]  }
0x2c: {  	s7 =	sld [smem:$0x3FAA]  }
0x2d: {  	s3 =	simm.s32 $0x108;
	s8 =	sld [smem:$0x3FAB]  }
0x2e: {  	s3 =	simm.s32 @!p0 $0x1082;
	s9 =	sld [smem:$0x3FAC]  }
0x2f: {  	lr =	sadd.s32 s0, s3;
	s0 =	sld [smem:$0x3FA3]  }
0x30: {  	s3 =	sld [smem:$0x3FA6]  }
0x31: {  	[smem:$0x3FAF] =	sst s10  }
0x32: {  	s10 =	sld [smem:$0x3FAD];
	_ =	sdelay $0x3  }
0x33: {  	p0 =	seq.s32 s10, $0x1;
	s10 =	sld [smem:$0x3FAF];
	_ =	sdelay $0x3  }
0x34: {  	[smem:$0x3FAF] =	sst s10  }
0x35: {  	s10 =	sld [smem:$0x3FAE];
	_ =	sdelay $0x3  }
0x36: {  	p1 =	seq.s32 s10, $0x1;
	s10 =	sld [smem:$0x3FAF];
	_ =	sdelay $0x3  }
0x37: {  	[smem:$0x3FAF] =	sst s10  }
0x38: {  	s10 =	sld [smem:$0x3FB0]  }
0x39: {  	_ = 	snop;
	(pc) =	sbr.ind lr, $3  }
0x3a: {  	_ = 	snop  }
0x3b: {  	_ = 	snop  }
0x3c: {  	p2 =	seq.s32 s10, $0x1;
	s10 =	sld [smem:$0x3FAF]  }
0x3d: {  	_ =	shalt  }
0x3e: {  	_ =	shalt  }
0x3f: {  	_ =	shalt  }
0x40: {  	_ =	shalt  }
0x41: {  	_ =	shalt  }
0x42: {  	_ =	shalt  }
0x43: {  	_ =	shalt  }
0x44: {  	_ =	shalt  }
0x45: {  	_ =	shalt  }
0x46: {  	_ =	shalt  }
0x47: {  	_ =	shalt  }
0x48: {  	_ =	shalt  }
0x49: {  	_ =	shalt  }
0x4a: {  	_ =	shalt  }
0x4b: {  	_ =	shalt  }
0x4c: {  	_ =	shalt  }
0x4d: {  	_ =	shalt  }
0x4e: {  	_ =	shalt  }
0x4f: {  	_ =	shalt  }
0x50: {  	_ =	shalt  }
0x51: {  	_ =	shalt  }
0x52: {  	_ =	shalt  }
0x53: {  	_ =	shalt  }
0x54: {  	_ =	shalt  }
0x55: {  	_ =	shalt  }
0x56: {  	_ =	shalt  }
0x57: {  	_ =	shalt  }
0x58: {  	_ =	shalt  }
0x59: {  	_ =	shalt  }
0x5a: {  	_ =	shalt  }
0x5b: {  	_ =	shalt  }
0x5c: {  	_ =	shalt  }
0x5d: {  	_ =	shalt  }
0x5e: {  	_ =	shalt  }
0x5f: {  	_ =	shalt  }
0x60: {  	_ =	shalt  }
0x61: {  	_ =	shalt  }
0x62: {  	_ =	shalt  }
0x63: {  	_ =	shalt  }
0x64: {  	_ =	shalt  }
0x65: {  	_ =	shalt  }
0x66: {  	_ =	shalt  }
0x67: {  	_ =	shalt  }
0x68: {  	_ =	shalt  }
0x69: {  	_ =	shalt  }
0x6a: {  	_ =	shalt  }
0x6b: {  	_ =	shalt  }
0x6c: {  	_ =	shalt  }
0x6d: {  	_ =	shalt  }
0x6e: {  	_ =	shalt  }
0x6f: {  	_ =	shalt  }
0x70: {  	_ =	shalt  }
0x71: {  	_ =	shalt  }
0x72: {  	_ =	shalt  }
0x73: {  	_ =	shalt  }
0x74: {  	_ =	shalt  }
0x75: {  	_ =	shalt  }
0x76: {  	_ =	shalt  }
0x77: {  	_ =	shalt  }
0x78: {  	_ =	shalt  }
0x79: {  	_ =	shalt  }
0x7a: {  	_ =	shalt  }
0x7b: {  	_ =	shalt  }
0x7c: {  	_ =	shalt  }
0x7d: {  	_ =	shalt  }
0x7e: {  	_ =	shalt  }
0x7f: {  	_ =	shalt  }
0x80: {  	_ =	shalt  }
0x81: {  	_ =	shalt  }
0x82: {  	_ =	shalt  }
0x83: {  	_ =	shalt  }
0x84: {  	_ =	shalt  }
0x85: {  	_ =	shalt  }
0x86: {  	_ =	shalt  }
0x87: {  	_ =	shalt  }
.Lfunc_end0:
.L_simem_size_0:
called_computation.5_lowered:
.L_overlay_start_0:
0x88: {  	s2 =	sld [smem:$0x3FD9]  }
0x89: {  	s3 =	sld [smem:$0x3FFE];
	_ =	sdelay $0x1  }
0x8a: {  	s1 =	srdreg.scid  }
0x8b: {  	s0 =	sand.u32 $0x1, s1  }
0x8c: {  	s14 =	sshll.u32 s0, $0xA;
	s2 =	sadd.s32 s3, s2  }
0x8d: {  	s2 =	sadd.s32 s2, s14  }
0x8e: {  	[smem:$0x3FBB] =	sst s2  }
0x8f: {  	_ = 	snop  }
0x90: {  	s2 =	sld [smem:$0x3FD0];
	_ =	sdelay $0x2  }
0x91: {  	s15 =	simm.s32 $0xB;
	s4 =	simm.s32 $0x10  }
0x92: {  	[smem:s4], [sflag:s15] =	dma.local [hbm:s2], $0x1  }
0x93: {  	_ =	swait.eq [sflag:s15], $0x1  }
0x94: {  	[sflag:s15] =	ssyncset.done $0x0  }
0x95: {  	[sflag:s15] =	ssyncadd.s32 $0xFFFFFFFF  }
0x96: {  	s16 =	sld [smem:$0x11];
	(tm) =	ssettm $0x1  }
0x97: {  	s17 =	sld [smem:$0x3FFB];
	_ =	sdelay $0x3  }
0x98: {  	_ =	strace s17  }
0x99: {  	s3 =	sld [smem:$0x3FFC];
	_ =	sdelay $0x3  }
0x9a: {  	_ =	strace s3  }
0x9b: {  	s3 =	sld [smem:$0x3FFD];
	_ =	sdelay $0x3  }
0x9c: {  	_ =	strace s3  }
0x9d: {  	_ =	strace $0x8FFFFFFF  }
0x9e: {  	s18 =	sld [smem:$0x3FDB];
	_ =	sdelay $0x1  }
0x9f: {  	s19 =	simm.s32 $_scs_section_size  }
0xa0: {  	s5 =	simm.s32 $_size__tile_overlayer_lowered;
	s6 =	simm.s32 $_tile_overlayer_lowered  }
0xa1: {  	s22 =	simm.s32 $0x1BFF;
	s21 =	sshll.u32 s6, $0x1;
	s3 =	sadd.s32 s19, s18  }
0xa2: {  	s7 =	simm.s32 $0x0;
	s20 =	sshll.u32 s5, $0x1;
	s5 =	sadd.s32 s21, s3  }
0xa3: {  	[timem:s7], [sflag:s22] =	dma.local [hbm:s5], s20  }
0xa4: {  	_ =	swait.ge [sflag:s22], s20  }
0xa5: {  	s4 =	ssub.s32 $0x0, s20;
	[sflag:s22] =	ssyncset.done $0x0  }
0xa6: {  	[sflag:s22] =	ssyncadd.s32 s4;
	_ =	sdelay $0x1  }
0xa7: {  	s23 =	simm.s32 $0x1B8B  }
0xa8: {  	_ =	swait.ge [sflag:s23], $0x1  }
0xa9: {  	[sflag:s23] =	ssyncset.done $0x0  }
0xaa: {  	s25 =	simm.s32 $0x1B8E;
	s24 =	sld [smem:$0x3FFE];
	[sflag:s23] =	ssyncadd.s32 $0xFFFFFFFF  }
0xab: {  	s26 =	simm.s32 $execute0_lowered;
	[smem:$0x3FD2] =	sst s25  }
0xac: {  	s5 =	sshll.u32 s26, $0x1;
	_ =	strace $0x80000052;
	[dreg:$0x1] =	wrdreg $0xFFFFFFFF  }
0xad: {  	s28 =	simm.s32 $_size_execute0_lowered;
	s3 =	sadd.s32 s3, s5;
	[dreg:$0x0] =	wrdreg $0x0  }
0xae: {  	s5 =	sshll.u32 s28, $0x1;
	[dreg:$0x2] =	wrdreg s3  }
0xaf: {  	[dreg:$0x3] =	wrdreg s5  }
0xb0: {  	[dreg:$0x4] =	wrdreg $0xC0  }
0xb1: {  	_ =	task [dreg:s7], $0x5FFFF  }
0xb2: {  	[dreg:$0x1] =	wrdreg $0xFFFFFFFF  }
0xb3: {  	[dreg:$0x0] =	wrdreg $0x60  }
0xb4: {  	[dreg:$0x2] =	wrdreg s24  }
0xb5: {  	[dreg:$0x3] =	wrdreg s16  }
0xb6: {  	[dreg:$0x4] =	wrdreg $0xA  }
0xb7: {  	_ =	task.clear_ibuf [dreg:s7], $0x5FFFF;
	_ =	strace $0x90000052  }
0xb8: {  	s29 =	simm.s32 $0xA;
	_ =	strace $0x80000054  }
0xb9: {  	_ =	swait.ge [sflag:s29], $0x1  }
0xba: {  	[sflag:s29] =	ssyncadd.s32 $0xFFFFFFFF  }
0xbb: {  	_ =	strace $0x90000054  }
0xbc: {  	_ =	sfence  }
0xbd: {  	s30 =	sld [smem:$0x0];
	_ =	sdelay $0x2  }
0xbe: {  	s31 =	sshll.u32 s1, $0xD;
	s1 =	sshrl.u32 s1, $0x2  }
0xbf: {  	s3 =	sand.u32 $0x4000, s31;
	s1 =	sadd.s32 s1, s30  }
0xc0: {  	s0 =	sor.u32 s3, s0;
	s1 =	sshll.u32 s1, $0x11  }
0xc1: {  	s0 =	sor.u32 s1, s0  }
0xc2: {  	s0 =	sadd.s32 $0x8F2B, s0  }
0xc3: {  	[sflag:s0] =	ssyncadd.remote.s32 $0x1  }
0xc4: {  	_ =	sfence.sel $0xFFFF  }
0xc5: {  	[dreg:$0x0] =	wrdreg $0xFFFFFFFF;
	(pc) =	sbr.abs _section_cstart, $3  }
0xc6: {  	[dreg:$0x1] =	wrdreg $0xFFFFFFFF  }
0xc7: {  	_ =	task.clear_ibuf [dreg:s7], $0x2FFFF;
	_ =	strace $0x9FFFFFFF  }
0xc8: {  	(tm) =	ssettm $0x7FFFFFFF  }
0xc9: {  	_ =	shalt  }
tec
execute0_lowered:
.L_overlay_start_1:
0x0: {  	(tag) =	ssettag $0x1  }
0x1: {  	s1 =	srdreg.scid;
	s8 =	rddreg [dreg:$0x0]  }
0x2: {  	s0 =	stileid.u32;
	s2 =	rddreg [dreg:$0x1]  }
0x3: {  	s5 =	simm.s32 $0x1;
	s9 =	simm.s32 $0x1;
	s1 =	sshll.u32 s1, $0x5  }
0x4: {  	s10 =	simm.s32 $0x3;
	s3 =	sshll.u32 s0, $0x6;
	s4 =	sand.u32 $0x20, s1  }
0x5: {  	s13 =	simm.s32 $0x0;
	s12 =	simm.s32 $0x0;
	s3 =	sor.u32 s3, s4  }
0x6: {  	s1 =	rddreg [dreg:$0x2];
	_ =	strace $0x80000053;
	s7 =	ssub.s32 $0x800, s3  }
.Ltmp0:
0x7: {  	s4 =	sadd.s32 $0x1000, s8;
	s6 =	sand.u32 $0x3E0, s7;
	(pc) =	sbr.rel .LBB2_1-.Ltmp0, $4  }
0x8: {  	[sflag:s5] =	ssyncpa.u1 $0x0;
	s8 =	sadd.s32 $0x101C00, s8;
	p0 =	sne.s32 s6, $0x0  }
0x9: {  	s7 =	sshrl.u32 s7, $0xA;
	s6 =	simm.s32 $0x2;
	s9 =	simm.s32 @!p0 $0x0  }
0xa: {  	s11 =	smov.u32 s3;
	[sflag:s6] =	ssyncpa.u1 $0x0;
	s7 =	sadd.s32 s9, s7  }
0xb: {  	vm0 =	vmmov $0xffff;
	[sflag:s10] =	ssyncpa.u1 $0x0;
	s10 =	simm.s32 $0x0;
	s9 =	sadd.s32 $0x1, s7  }
.LBB2_5:
0xc: {  	s15 =	sadd.s32 $0x400, s11  }
0xd: {  	p1 =	sgt.s32 s15, $0x7FF  }
0xe: {  	s15 =	smov.u32 @p1 s3;
	p1 =	sne.s32 s12, s9  }
.Ltmp1:
0xf: {  	p0 =	slt.u32 s12, $0x2;
	(pc) =	sbr.rel @!p1 .LBB2_6-.Ltmp1, $4  }
0x10: {  	s14 =	simm.s32 @!p0 $0x3  }
0x11: {  	_ =	swait.ge @!p0 [sflag:s14], $0x20  }
0x12: {  	s16 =	sadd.s32 $0x1, s12;
	s13 =	smov.u32 s11;
	[sflag:s14] =	ssyncset.done @!p0 $0x0  }
0x13: {  	s12 =	smov.u32 s16;
	s11 =	smov.u32 s15;
	[sflag:s14] =	ssyncadd.s32 @!p0 $0xFFFFFFE0  }
.LBB2_1:
0x14: {  	p0 =	sge.u32 s12, s7  }
0x15: {  	s14 =	sxor.u32 @!p0 $0xFFFFFFFF, s12  }
0x16: {  	s31 =	sadd.s32 $0xFFFFFFFF, s12;
	s15 =	sshrl.u32 @!p0 s11, $0x3;
	s14 =	sshll.u32 @!p0 s14, $0x5  }
0x17: {  	s16 =	sand.u32 @!p0 $0x7, s11;
	s15 =	sadd.s32 @!p0 s8, s15;
	s14 =	sand.u32 @!p0 $0x20, s14  }
0x18: {  	[tilespmem:s14], [sflag:$0x2] =	stream.linear.gather @!p0 [hbm4b:s15+s16], $0x20, $0x38;
	[tilespmem:$0x80] =	vst v63  }
0x19: {  	p0 =	sge.u32 s31, s7  }
.Ltmp2:
0x1a: {  	_ = 	snop;
	(pc) =	sbr.rel @p0 .LBB2_5-.Ltmp2, $1  }
0x1b: {  	_ =	sdelay $0x3  }
0x1c: {  	_ =	swait.ge [sflag:s6], $0x20;
	s14 =	sshll.u32 s12, $0x5;
	s16 =	simm.s32 $0x0  }
0x1d: {  	p0 =	por $0x1, $0x1;
	[sflag:s6] =	ssyncset.done $0x0;
	s15 =	sand.u32 $0x20, s14  }
0x1e: {  	[sflag:s6] =	ssyncadd.s32 $0xFFFFFFE0;
	(ifvalue) =	ssetifvalue $0x7FFFFFFF;
	s14 =	sor.u32 $0x40, s15  }
.LBB2_3:
0x1f: {  	s17 =	sadd.s32 s16, s15  }
0x20: {  	v0 =	vld.msk [tilespmem:s17+$0x0 ss:$0x1], $0xffff;
	_ =	sdelay $0x4  }
0x21: {  	v1 =	vshrl.u32 v0, $0x3  }
0x22: {  	vm1 =	veq.s32 v0, $0x80000000;
	v1 =	vand.u32 $0x1FF, v1  }
0x23: {  	v0 =	vand.u32 $0x7, v0;
	v1 =	vsel vm1, $0xFFFFFFFF, v1  }
0x24: {  	v0 =	vsel vm1, $0xFFFFFFFF, v0;
	v2 =	vshll.u32 v1, $0x3  }
0x25: {  	v3 =	vand.u32 $0xFFFFF000, v0;
	v0 =	vshll.u32 v0, $0x7;
	v2 =	vand.u32 $0xFFFFFC00, v2  }
0x26: {  	v0 =	vand.u32 $0x380, v0;
	v2 =	vadd.s32 v3, v2  }
0x27: {  	v1 =	vand.u32 $0x7F, v1;
	v0 =	vor.u32 v0, v2  }
0x28: {  	p1 =	por p0, p0;
	v0 =	vor.u32 v1, v0  }
.Ltmp3:
0x29: {  	_ = 	snop;
	(pc) =	sbr.rel @p1 .LBB2_3-.Ltmp3, $4  }
0x2a: {  	_ = 	snop  }
0x2b: {  	s31 =	sadd.s32 s16, s14  }
0x2c: {  	s16 =	simm.s32 $0x10;
	p0 =	por $0x0, $0x0;
	(ifvalue) =	ssetifvalue $0x7FFFFFFF  }
0x2d: {  	[tilespmem:s31], [sflag:$0x1] =	stream.indirect_vreg.gather [hbm4b:s4+s10], $0x1, v0, vm0, $0x4038;
	[tilespmem:$0x80] =	vst v63  }
.Ltmp4:
0x2e: {  	(pc) =	sbr.rel .LBB2_5-.Ltmp4, $4  }
0x2f: {  	_ =	swait.ge [sflag:s5], $0x20  }
0x30: {  	s15 =	sshrl.u32 s13, $0x3;
	[sflag:s5] =	ssyncset.done $0x0  }
0x31: {  	s31 =	sand.u32 $0x7, s13;
	s15 =	sadd.s32 s2, s15;
	[sflag:s5] =	ssyncadd.s32 $0xFFFFFFE0  }
0x32: {  	[hbm4b:s15+s31] =	stream.linear.scatter [tilespmem:s14], [sflag:$0x3], $0x20, $0x38;
	[tilespmem:$0x80] =	vst v63  }
.LBB2_6:
0x33: {  	_ =	sfence.sel $0x180000  }
0x34: {  	s2 =	simm.s32 $0x2;
	[bflag:$0x0] =	sbarrier.arrive $0xFFFF  }
0x35: {  	s30 =	simm.s32 $0x3;
	[sflag:s2] =	ssyncpa.u1 $0x1  }
0x36: {  	s31 =	simm.s32 $0x1;
	[sflag:s30] =	ssyncpa.u1 $0x1  }
0x37: {  	[sflag:s31] =	ssyncpa.u1 $0x1  }
0x38: {  	p0 =	sne.s32 s0, $0x0;
	_ =	strace $0x90000053  }
0x39: {  	s0 =	sadd.s32 @!p0 $0x100000, s1;
	[bflag:$0x2] =	sbarrier.arrive $0xFFFF  }
0x3a: {  	[sflag:s0] =	ssyncadd.tile.s32 @!p0 $0x1;
	_ =	shalt  }
.Lfunc_end2:
_tile_overlayer_lowered:
.L_overlay_start_2:
0x3b: {  	(tag) =	ssettag $0x2  }
0x3c: {  	s0 =	rddreg [dreg:$0x0];
	s2 =	stileid.u32  }
0x3d: {  	s1 =	rddreg [dreg:$0x1];
	p0 =	sne.s32 s2, $0x0  }
0x3e: {  	s3 =	rddreg [dreg:$0x2];
	[bflag:$0x3] =	sbarrier.arrive $0xFFFF;
	s2 =	simm.s32 @!p0 $0x1C01  }
0x3f: {  	[timem:s3], [sflag:s2] =	dma.local @!p0 [hbm:s0], s1  }
0x40: {  	s0 =	simm.s32 @!p0 $0x1  }
0x41: {  	_ =	swait.ge @!p0 [sflag:s0], s1  }
0x42: {  	s1 =	ssub.s32 @!p0 $0x0, s1;
	[sflag:s0] =	ssyncset.done @!p0 $0x0  }
0x43: {  	[sflag:s0] =	ssyncadd.s32 @!p0 s1  }
0x44: {  	[bflag:$0x3] =	sbarrier.arrive $0xFFFF  }
0x45: {  	_ =	shalt  }

// kernel: gather_offload_async_start
scs
__scs_entry_jumppad:
0x0: {  	(pc) =	sbr.rel $0x88, $3  }
0x1: {  	(tag) =	ssettag $0x0;
	lr =	simm.s32 $0x1  }
0x2: {  	[smem:$0x3F94] =	sst lr;
	_ =	strace $0xD0000000  }
0x3: {  	_ = 	snop  }
0x4: {  	_ = 	snop  }
0x5: {  	_ = 	snop  }
0x6: {  	_ = 	snop  }
0x7: {  	_ = 	snop  }
__scs_overlays_trampoline_lowered:
0x8: {  	[smem:$0x3FA3] =	sst s0  }
0x9: {  	[smem:$0x3FA4] =	sst s1  }
0xa: {  	[smem:$0x3FA5] =	sst s2  }
0xb: {  	[smem:$0x3FA6] =	sst s3  }
0xc: {  	[smem:$0x3FA7] =	sst s4  }
0xd: {  	[smem:$0x3FA8] =	sst s5  }
0xe: {  	[smem:$0x3FA9] =	sst s6  }
0xf: {  	[smem:$0x3FAA] =	sst s7  }
0x10: {  	[smem:$0x3FAB] =	sst s8  }
0x11: {  	[smem:$0x3FAC] =	sst s9;
	s0 =	simm.s32 @!p0 $0x0  }
0x12: {  	s1 =	sld [smem:$0x3F92];
	s0 =	simm.s32 @p0 $0x1  }
0x13: {  	[smem:$0x3FAD] =	sst s0;
	s0 =	simm.s32 @!p1 $0x0  }
0x14: {  	s2 =	sld [smem:$0x3F91];
	s0 =	simm.s32 @p1 $0x1  }
0x15: {  	[smem:$0x3FAE] =	sst s0;
	s0 =	simm.s32 @!p2 $0x0  }
0x16: {  	s3 =	sld [smem:$0x3FDB];
	s0 =	simm.s32 @p2 $0x1  }
0x17: {  	s4 =	simm.s32 $0x1BF5;
	[smem:$0x3FB0] =	sst s0  }
0x18: {  	s0 =	sld [smem:$0x3F93];
	_ =	swait.ge [sflag:s4], $0x0  }
0x19: {  	s7 =	sld [smem:$0x3F94]  }
0x1a: {  	s8 =	sadd.s32 $0xFFFFE003, lr  }
0x1b: {  	s9 =	sadd.s32 $0xFFFFFEF7, lr;
	s5 =	simm.s32 $0xFFFFFFFF;
	p2 =	slt.u32 s8, $0xFFFFF086  }
0x1c: {  	p1 =	slt.u32 s9, $0xF7A;
	s5 =	simm.s32 @!p2 $0x0  }
0x1d: {  	s5 =	simm.s32 @p1 $0x1;
	p0 =	seq.s32 s7, s2  }
0x1e: {  	s7 =	smul.u32 @!p0 $0xF7A, s2;
	p2 =	seq.s32 @!p0 s5, $0x0  }
0x1f: {  	s9 =	smul.u32 $0xF7A, s1;
	s8 =	simm.s32 @!p0 $0x1BF5;
	p2 =	por !p2, p0  }
0x20: {  	[sflag:s8] =	ssyncset.s32 @!p0 $0xFFFFF086;
	s6 =	sadd.s32 @!p0 s3, s7;
	s7 =	simm.s32 @!p0 $0x108  }
0x21: {  	s3 =	sadd.s32 s3, s9;
	s6 =	sadd.s32 @!p0 $0x88, s6;
	s7 =	simm.s32 @p2 $0x1082  }
0x22: {  	[simem:s7], [sflag:s8] =	dma.local @!p0 [hbm:s6], $0xF7A  }
0x23: {  	s9 =	sor.u32 $0xD0000000, s2;
	s6 =	simm.s32 $0x108;
	_ =	swait.ge @!p0 [sflag:s8], $0x0  }
0x24: {  	s3 =	sadd.s32 $0x88, s3;
	s6 =	simm.s32 @!p1 $0x1082;
	[sflag:s4] =	ssyncset.s32 $0xFFFFF086  }
0x25: {  	[simem:s6], [sflag:s4] =	dma.local [hbm:s3], $0xF7A  }
0x26: {  	[smem:$0x3F94] =	sst s1;
	(tag) =	ssettag s2;
	_ =	strace s9  }
0x27: {  	s1 =	sld [smem:$0x3FA4]  }
0x28: {  	s2 =	sld [smem:$0x3FA5]  }
0x29: {  	s4 =	sld [smem:$0x3FA7]  }
0x2a: {  	p0 =	seq.s32 s5, $0x0;
	s5 =	sld [smem:$0x3FA8]  }
0x2b: {  	s6 =	sld [smem:$0x3FA9]  }
0x2c: {  	s7 =	sld [smem:$0x3FAA]  }
0x2d: {  	s3 =	simm.s32 $0x108;
	s8 =	sld [smem:$0x3FAB]  }
0x2e: {  	s3 =	simm.s32 @!p0 $0x1082;
	s9 =	sld [smem:$0x3FAC]  }
0x2f: {  	lr =	sadd.s32 s0, s3;
	s0 =	sld [smem:$0x3FA3]  }
0x30: {  	s3 =	sld [smem:$0x3FA6]  }
0x31: {  	[smem:$0x3FAF] =	sst s10  }
0x32: {  	s10 =	sld [smem:$0x3FAD];
	_ =	sdelay $0x3  }
0x33: {  	p0 =	seq.s32 s10, $0x1;
	s10 =	sld [smem:$0x3FAF];
	_ =	sdelay $0x3  }
0x34: {  	[smem:$0x3FAF] =	sst s10  }
0x35: {  	s10 =	sld [smem:$0x3FAE];
	_ =	sdelay $0x3  }
0x36: {  	p1 =	seq.s32 s10, $0x1;
	s10 =	sld [smem:$0x3FAF];
	_ =	sdelay $0x3  }
0x37: {  	[smem:$0x3FAF] =	sst s10  }
0x38: {  	s10 =	sld [smem:$0x3FB0]  }
0x39: {  	_ = 	snop;
	(pc) =	sbr.ind lr, $3  }
0x3a: {  	_ = 	snop  }
0x3b: {  	_ = 	snop  }
0x3c: {  	p2 =	seq.s32 s10, $0x1;
	s10 =	sld [smem:$0x3FAF]  }
0x3d: {  	_ =	shalt  }
0x3e: {  	_ =	shalt  }
0x3f: {  	_ =	shalt  }
0x40: {  	_ =	shalt  }
0x41: {  	_ =	shalt  }
0x42: {  	_ =	shalt  }
0x43: {  	_ =	shalt  }
0x44: {  	_ =	shalt  }
0x45: {  	_ =	shalt  }
0x46: {  	_ =	shalt  }
0x47: {  	_ =	shalt  }
0x48: {  	_ =	shalt  }
0x49: {  	_ =	shalt  }
0x4a: {  	_ =	shalt  }
0x4b: {  	_ =	shalt  }
0x4c: {  	_ =	shalt  }
0x4d: {  	_ =	shalt  }
0x4e: {  	_ =	shalt  }
0x4f: {  	_ =	shalt  }
0x50: {  	_ =	shalt  }
0x51: {  	_ =	shalt  }
0x52: {  	_ =	shalt  }
0x53: {  	_ =	shalt  }
0x54: {  	_ =	shalt  }
0x55: {  	_ =	shalt  }
0x56: {  	_ =	shalt  }
0x57: {  	_ =	shalt  }
0x58: {  	_ =	shalt  }
0x59: {  	_ =	shalt  }
0x5a: {  	_ =	shalt  }
0x5b: {  	_ =	shalt  }
0x5c: {  	_ =	shalt  }
0x5d: {  	_ =	shalt  }
0x5e: {  	_ =	shalt  }
0x5f: {  	_ =	shalt  }
0x60: {  	_ =	shalt  }
0x61: {  	_ =	shalt  }
0x62: {  	_ =	shalt  }
0x63: {  	_ =	shalt  }
0x64: {  	_ =	shalt  }
0x65: {  	_ =	shalt  }
0x66: {  	_ =	shalt  }
0x67: {  	_ =	shalt  }
0x68: {  	_ =	shalt  }
0x69: {  	_ =	shalt  }
0x6a: {  	_ =	shalt  }
0x6b: {  	_ =	shalt  }
0x6c: {  	_ =	shalt  }
0x6d: {  	_ =	shalt  }
0x6e: {  	_ =	shalt  }
0x6f: {  	_ =	shalt  }
0x70: {  	_ =	shalt  }
0x71: {  	_ =	shalt  }
0x72: {  	_ =	shalt  }
0x73: {  	_ =	shalt  }
0x74: {  	_ =	shalt  }
0x75: {  	_ =	shalt  }
0x76: {  	_ =	shalt  }
0x77: {  	_ =	shalt  }
0x78: {  	_ =	shalt  }
0x79: {  	_ =	shalt  }
0x7a: {  	_ =	shalt  }
0x7b: {  	_ =	shalt  }
0x7c: {  	_ =	shalt  }
0x7d: {  	_ =	shalt  }
0x7e: {  	_ =	shalt  }
0x7f: {  	_ =	shalt  }
0x80: {  	_ =	shalt  }
0x81: {  	_ =	shalt  }
0x82: {  	_ =	shalt  }
0x83: {  	_ =	shalt  }
0x84: {  	_ =	shalt  }
0x85: {  	_ =	shalt  }
0x86: {  	_ =	shalt  }
0x87: {  	_ =	shalt  }
.Lfunc_end0:
.L_simem_size_0:
called_computation_lowered:
.L_overlay_start_0:
0x88: {  	s2 =	sld [smem:$0x3FD9]  }
0x89: {  	s3 =	sld [smem:$0x3FFE];
	_ =	sdelay $0x1  }
0x8a: {  	s1 =	srdreg.scid  }
0x8b: {  	s0 =	sand.u32 $0x1, s1  }
0x8c: {  	s17 =	sshll.u32 s0, $0xA;
	s2 =	sadd.s32 s3, s2  }
0x8d: {  	s2 =	sadd.s32 s2, s17  }
0x8e: {  	[smem:$0x3FBB] =	sst s2  }
0x8f: {  	_ = 	snop  }
0x90: {  	s18 =	sld [smem:$0x3FC8];
	(tm) =	ssettm $0x1  }
0x91: {  	s19 =	sld [smem:$0x3FFB];
	_ =	sdelay $0x3  }
0x92: {  	_ =	strace s19  }
0x93: {  	s2 =	sld [smem:$0x3FFC];
	_ =	sdelay $0x3  }
0x94: {  	_ =	strace s2  }
0x95: {  	s2 =	sld [smem:$0x3FFD];
	_ =	sdelay $0x3  }
0x96: {  	_ =	strace s2  }
0x97: {  	_ =	strace $0x8FFFFFFF  }
0x98: {  	s20 =	sld [smem:$0x3FDB];
	_ =	sdelay $0x1  }
0x99: {  	s4 =	simm.s32 $_scs_section_size  }
0x9a: {  	s5 =	simm.s32 $_size__tile_overlayer_lowered;
	s6 =	simm.s32 $_tile_overlayer_lowered  }
0x9b: {  	s7 =	simm.s32 $0x1BFF;
	s21 =	sshll.u32 s6, $0x1;
	s4 =	sadd.s32 s4, s20  }
0x9c: {  	s22 =	simm.s32 $0x0;
	s5 =	sshll.u32 s5, $0x1;
	s6 =	sadd.s32 s21, s4  }
0x9d: {  	[timem:s22], [sflag:s7] =	dma.local [hbm:s6], s5  }
0x9e: {  	_ =	swait.ge [sflag:s7], s5  }
0x9f: {  	s5 =	ssub.s32 $0x0, s5;
	[sflag:s7] =	ssyncset.done $0x0  }
0xa0: {  	[sflag:s7] =	ssyncadd.s32 s5;
	_ =	sdelay $0x1  }
0xa1: {  	s23 =	simm.s32 $0x1B8B  }
0xa2: {  	_ =	swait.ge [sflag:s23], $0x1  }
0xa3: {  	[sflag:s23] =	ssyncset.done $0x0  }
0xa4: {  	[sflag:s23] =	ssyncadd.s32 $0xFFFFFFFF  }
0xa5: {  	s5 =	sld [smem:$0x0]  }
0xa6: {  	s6 =	sand.u32 $0xFFFFFFFE, s1  }
0xa7: {  	p0 =	sne.s32 s1, s6  }
0xa8: {  	s6 =	sshll.u32 @p0 s6, $0xE  }
0xa9: {  	s6 =	sadd.s32 @p0 $0x11B8D, s6;
	s7 =	sshll.u32 @p0 s5, $0x11  }
0xaa: {  	s6 =	sor.u32 @p0 s7, s6  }
0xab: {  	[sflag:s6] =	ssyncadd.remote.s32 @p0 $0x1;
	_ =	sdelay $0x1  }
0xac: {  	s6 =	simm.s32 @p0 $0x1B8D  }
0xad: {  	_ =	swait.eq @p0 [sflag:s6], $0x1  }
0xae: {  	[sflag:s6] =	ssyncadd.s32 @p0 $0xFFFFFFFF  }
0xaf: {  	s7 =	sshll.u32 @!p0 s1, $0xE  }
0xb0: {  	s7 =	sor.u32 @!p0 $0x4000, s7;
	s6 =	simm.s32 @!p0 $0x1B8D  }
0xb1: {  	s5 =	sshll.u32 @!p0 s5, $0x11;
	s7 =	sadd.s32 @!p0 $0x11B8D, s7;
	_ =	swait.eq @!p0 [sflag:s6], $0x1  }
0xb2: {  	s5 =	sor.u32 @!p0 s5, s7;
	[sflag:s6] =	ssyncadd.s32 @!p0 $0xFFFFFFFF  }
0xb3: {  	s25 =	simm.s32 $0x1B8E;
	s24 =	sld [smem:$0x3FFE];
	[sflag:s5] =	ssyncadd.remote.s32 @!p0 $0x1  }
0xb4: {  	s26 =	simm.s32 $execute0_lowered;
	[smem:$0x3FD2] =	sst s25  }
0xb5: {  	s6 =	sshll.u32 s26, $0x1;
	_ =	strace $0x80000049;
	[dreg:$0x1] =	wrdreg $0xFFFFFFFF  }
0xb6: {  	s28 =	simm.s32 $_size_execute0_lowered;
	s4 =	sadd.s32 s4, s6;
	[dreg:$0x0] =	wrdreg $0x0  }
0xb7: {  	s6 =	sshll.u32 s28, $0x1;
	[dreg:$0x2] =	wrdreg s4  }
0xb8: {  	[dreg:$0x3] =	wrdreg s6  }
0xb9: {  	[dreg:$0x4] =	wrdreg $0xC0  }
0xba: {  	_ =	task [dreg:s22], $0x5FFFF  }
0xbb: {  	[dreg:$0x1] =	wrdreg $0xFFFFFFFF  }
0xbc: {  	[dreg:$0x0] =	wrdreg $0x60  }
0xbd: {  	[dreg:$0x2] =	wrdreg s18  }
0xbe: {  	[dreg:$0x3] =	wrdreg s24  }
0xbf: {  	[dreg:$0x4] =	wrdreg $0x9  }
0xc0: {  	_ =	task.clear_ibuf [dreg:s22], $0x5FFFF;
	_ =	strace $0x90000049  }
0xc1: {  	s29 =	simm.s32 $0x9;
	_ =	strace $0x8000004B  }
0xc2: {  	_ =	swait.ge [sflag:s29], $0x1  }
0xc3: {  	[sflag:s29] =	ssyncadd.s32 $0xFFFFFFFF  }
0xc4: {  	_ =	strace $0x9000004B  }
0xc5: {  	_ =	sfence  }
0xc6: {  	s30 =	sld [smem:$0x0];
	_ =	sdelay $0x2  }
0xc7: {  	s31 =	sshll.u32 s1, $0xD;
	s1 =	sshrl.u32 s1, $0x2  }
0xc8: {  	s4 =	sand.u32 $0x4000, s31;
	s1 =	sadd.s32 s1, s30  }
0xc9: {  	s0 =	sor.u32 s4, s0;
	s1 =	sshll.u32 s1, $0x11  }
0xca: {  	s0 =	sor.u32 s1, s0  }
0xcb: {  	s0 =	sadd.s32 $0x8F2B, s0  }
0xcc: {  	[sflag:s0] =	ssyncadd.remote.s32 $0x1  }
0xcd: {  	_ =	sfence.sel $0xFFFF  }
0xce: {  	[dreg:$0x0] =	wrdreg $0xFFFFFFFF;
	(pc) =	sbr.abs _section_cstart, $3  }
0xcf: {  	[dreg:$0x1] =	wrdreg $0xFFFFFFFF  }
0xd0: {  	_ =	task.clear_ibuf [dreg:s22], $0x2FFFF;
	_ =	strace $0x9FFFFFFF  }
0xd1: {  	(tm) =	ssettm $0x7FFFFFFF  }
tec
execute0_lowered:
.L_overlay_start_1:
0x0: {  	(tag) =	ssettag $0x1  }
0x1: {  	s2 =	rddreg [dreg:$0x0]  }
0x2: {  	s7 =	rddreg [dreg:$0x1]  }
0x3: {  	s0 =	rddreg [dreg:$0x2]  }
0x4: {  	s1 =	srdreg.scid;
	_ =	strace $0x8000004A;
	s4 =	simm.s32 $0x1  }
0x5: {  	s9 =	simm.s32 $0x3;
	s11 =	simm.s32 $0x0;
	s5 =	sshll.u32 s1, $0x4  }
.Ltmp0:
0x6: {  	s1 =	stileid.u32;
	s5 =	sand.u32 $0x10, s5;
	(pc) =	sbr.rel .LBB2_1-.Ltmp0, $4  }
0x7: {  	p0 =	por $0x0, $0x0;
	s3 =	sadd.s32 $0x1200, s7;
	s6 =	sor.u32 s1, s5  }
0x8: {  	[sflag:s4] =	ssyncpa.u1 $0x0;
	s5 =	simm.s32 $0x2;
	s6 =	sshll.u32 s6, $0x7  }
0x9: {  	s7 =	sadd.s32 $0x101E00, s7;
	[sflag:s5] =	ssyncpa.u1 $0x0;
	s8 =	sadd.s32 $0x80, s6  }
0xa: {  	vm0 =	vmmov $0xff;
	vm1 =	vcmask $0x3F20;
	[sflag:s9] =	ssyncpa.u1 $0x0;
	s10 =	smov.u32 s6;
	s9 =	simm.s32 $0x0  }
.LBB2_9:
0xb: {  	p1 =	slt.u32 s9, $0x2;
	s11 =	sadd.s32 $0x20, s10  }
0xc: {  	s13 =	smov.u32 s6;
	s9 =	sadd.s32 $0x1, s9;
	p2 =	slt.s32 s11, s8  }
0xd: {  	s13 =	smov.u32 @p2 s11;
	p2 =	sne.s32 s9, $0x6  }
.Ltmp1:
0xe: {  	_ = 	snop;
	(pc) =	sbr.rel @!p2 .LBB2_10-.Ltmp1, $4  }
0xf: {  	s12 =	simm.s32 @!p1 $0x3  }
0x10: {  	_ =	swait.ge @!p1 [sflag:s12], $0x8000  }
0x11: {  	p0 =	por !p0, !p0;
	[sflag:s12] =	ssyncset.done @!p1 $0x0  }
0x12: {  	s11 =	smov.u32 s10;
	s10 =	smov.u32 s13;
	[sflag:s12] =	ssyncadd.s32 @!p1 $0xFFFF8000  }
.LBB2_1:
0x13: {  	p1 =	sgt.u32 s9, $0x3  }
0x14: {  	s12 =	sxor.u32 @!p1 $0xFFFFFFFF, s9  }
0x15: {  	s13 =	sshrl.u32 @!p1 s10, $0x3;
	s12 =	sshll.u32 @!p1 s12, $0x5  }
0x16: {  	s14 =	sand.u32 @!p1 $0x7, s10;
	s13 =	sadd.s32 @!p1 s3, s13;
	s12 =	sand.u32 @!p1 $0x20, s12  }
0x17: {  	[tilespmem:s12], [sflag:$0x2] =	stream.linear.gather @!p1 [hbm4b:s13+s14], $0x20, $0x38;
	[tilespmem:$0x10040] =	vst v63  }
0x18: {  	p1 =	seq.s32 s9, $0x0  }
0x19: {  	p2 =	seq.s32 @!p1 s9, $0x5  }
0x1a: {  	p1 =	por p1, p2  }
.Ltmp2:
0x1b: {  	_ = 	snop;
	(pc) =	sbr.rel @p1 .LBB2_9-.Ltmp2, $1  }
0x1c: {  	_ =	sdelay $0x3  }
0x1d: {  	s12 =	simm.s32 $0x1  }
0x1e: {  	_ =	swait.ge [sflag:s5], $0x20;
	s13 =	sand.u32 $0x1, s9;
	s12 =	simm.s32 @!p0 $0x0  }
0x1f: {  	s15 =	simm.s32 $0x0;
	p1 =	por $0x1, $0x1;
	s12 =	sshll.u32 s12, $0x11  }
0x20: {  	[sflag:s5] =	ssyncset.done $0x0;
	s13 =	sshll.u32 s13, $0x5;
	s14 =	sshrl.u32 s12, $0x2  }
0x21: {  	[sflag:s5] =	ssyncadd.s32 $0xFFFFFFE0;
	s12 =	sor.u32 $0x40, s14;
	s14 =	sadd.s32 $0x40, s14  }
.LBB2_3:
0x22: {  	s16 =	sshll.u32 s15, $0x4  }
0x23: {  	s16 =	sand.u32 $0x3FFFFFF0, s16  }
0x24: {  	s16 =	sadd.s32 s16, s13  }
0x25: {  	v0 =	vld.msk [tilespmem:s16+$0x0 ss:$0x1], $0xffff;
	_ =	sdelay $0x4  }
0x26: {  	v1 =	vshrl.u32 v0, $0x3  }
0x27: {  	vm2 =	veq.s32 v0, $0x80000000;
	v1 =	vand.u32 $0x3FF, v1  }
0x28: {  	v0 =	vshll.u32 v0, $0x14;
	v1 =	vsel vm2, $0xFFFFFFFF, v1  }
0x29: {  	v0 =	vand.u32 $0x700000, v0;
	v2 =	vshll.u32 v1, $0xA  }
0x2a: {  	v0 =	vsel vm2, $0xFFF00000, v0;
	v1 =	vshll.u32 v1, $0x7;
	v2 =	vand.u32 $0xFFFFE000, v2  }
0x2b: {  	v1 =	vand.u32 $0x380, v1;
	v0 =	vadd.s32 v0, v2  }
0x2c: {  	v0 =	vor.u32 v1, v0  }
0x2d: {  	v0 =	vshrl.u32 v0, $0x3  }
0x2e: {  	s31 =	sshll.u32 s15, $0x10  }
0x2f: {  	s15 =	sshra.s32 s31, $0x2  }
0x30: {  	s15 =	sadd.s32 s15, s14  }
0x31: {  	s17 =	sadd.s32 $0x0, s15  }
0x32: {  	[tilespmem:s17], [sflag:$0x1] =	stream.indirect_vreg.gather [hbm:s2], $0x80, v0, vm0, $0x38;
	[tilespmem:$0x10040] =	vst v63  }
0x33: {  	p2 =	por p1, p1;
	s16 =	simm.s32 $0x1000;
	v1 =	vadd.s32 $0x80, v0;
	s17 =	sadd.s32 $0x2000, s17  }
.LBB2_4:
0x34: {  	[tilespmem:s17], [sflag:$0x1] =	stream.indirect_vreg.gather [hbm:s2], $0x80, v0, vm1, $0x38;
	[tilespmem:$0x10040] =	vst v63  }
0x35: {  	v0 =	vmov v1;
	s17 =	smov.u32 s16;
	p1 =	sne.s32 s16, $0x7000  }
.Ltmp3:
0x36: {  	s16 =	sadd.s32 $0x1000, s16;
	(pc) =	sbr.rel @p1 .LBB2_4-.Ltmp3, $4  }
0x37: {  	s17 =	sshra.s32 s17, $0x2  }
0x38: {  	s17 =	sadd.s32 s17, s15  }
0x39: {  	[tilespmem:s17], [sflag:$0x1] =	stream.indirect_vreg.gather [hbm:s2], $0x80, v1, vm0, $0x38;
	[tilespmem:$0x10040] =	vst v63  }
0x3a: {  	s17 =	sadd.s32 $0x2000, s17;
	v1 =	vadd.s32 $0x80, v1  }
0x3b: {  	_ = 	snop  }
.Ltmp4:
0x3c: {  	_ = 	snop;
	(pc) =	sbr.rel @p2 .LBB2_3-.Ltmp4, $3  }
0x3d: {  	_ =	sdelay $0x1  }
0x3e: {  	[tilespmem:s17], [sflag:$0x1] =	stream.indirect_vreg.gather [hbm:s2], $0x80, v0, vm1, $0x38;
	[tilespmem:$0x10040] =	vst v63  }
0x3f: {  	s15 =	simm.s32 $0x1;
	p1 =	por $0x0, $0x0  }
0x40: {  	s13 =	sshll.u32 s11, $0x7  }
0x41: {  	s31 =	sshll.u32 s11, $0x4;
	s13 =	sand.u32 $0xFFFFFC00, s13  }
0x42: {  	_ =	swait.ge [sflag:s4], $0x8000;
	s11 =	sand.u32 $0x70, s31;
	s13 =	sadd.s32 s13, s7  }
0x43: {  	s14 =	sadd.s32 $0x2000, s12;
	[sflag:s4] =	ssyncset.done $0x0;
	s11 =	sadd.s32 s11, s13  }
0x44: {  	[sflag:s4] =	ssyncadd.s32 $0xFFFF8000;
	s13 =	simm.s32 $0x400;
	s15 =	sadd.s32 $0x0, s11  }
.LBB2_7:
0x45: {  	[hbm:s15] =	stream.linear.scatter [tilespmem:s12], [sflag:$0x3], $0x2000, $0x38;
	[tilespmem:$0x10040] =	vst v63  }
0x46: {  	s15 =	smov.u32 s13;
	s12 =	smov.u32 s14;
	p1 =	sne.s32 s13, $0xC00  }
.Ltmp5:
0x47: {  	s13 =	sadd.s32 $0x400, s13;
	(pc) =	sbr.rel @p1 .LBB2_7-.Ltmp5, $2  }
0x48: {  	_ =	sdelay $0x2  }
0x49: {  	s14 =	sadd.s32 $0x2000, s14;
	s15 =	sadd.s32 s15, s11  }
.Ltmp6:
0x4a: {  	(pc) =	sbr.rel .LBB2_9-.Ltmp6, $2  }
0x4b: {  	_ =	sdelay $0x2  }
0x4c: {  	[hbm:s15] =	stream.linear.scatter [tilespmem:s12], [sflag:$0x3], $0x2000, $0x38;
	[tilespmem:$0x10040] =	vst v63  }
.LBB2_10:
0x4d: {  	_ =	sfence.sel $0x180000  }
0x4e: {  	s2 =	simm.s32 $0x2;
	[bflag:$0x0] =	sbarrier.arrive $0xFFFF  }
0x4f: {  	s30 =	simm.s32 $0x3;
	[sflag:s2] =	ssyncpa.u1 $0x1  }
0x50: {  	s31 =	simm.s32 $0x1;
	[sflag:s30] =	ssyncpa.u1 $0x1  }
0x51: {  	[sflag:s31] =	ssyncpa.u1 $0x1  }
0x52: {  	p0 =	sne.s32 s1, $0x0;
	_ =	strace $0x9000004A  }
0x53: {  	s0 =	sadd.s32 @!p0 $0x100000, s0;
	[bflag:$0x2] =	sbarrier.arrive $0xFFFF  }
0x54: {  	[sflag:s0] =	ssyncadd.tile.s32 @!p0 $0x1;
	_ =	shalt  }
.Lfunc_end2:
_tile_overlayer_lowered:
.L_overlay_start_2:
0x55: {  	(tag) =	ssettag $0x2  }
0x56: {  	s0 =	rddreg [dreg:$0x0];
	s2 =	stileid.u32  }
0x57: {  	s1 =	rddreg [dreg:$0x1];
	p0 =	sne.s32 s2, $0x0  }
0x58: {  	s3 =	rddreg [dreg:$0x2];
	[bflag:$0x3] =	sbarrier.arrive $0xFFFF;
	s2 =	simm.s32 @!p0 $0x1C01  }
0x59: {  	[timem:s3], [sflag:s2] =	dma.local @!p0 [hbm:s0], s1  }
0x5a: {  	s0 =	simm.s32 @!p0 $0x1  }
0x5b: {  	_ =	swait.ge @!p0 [sflag:s0], s1  }
0x5c: {  	s1 =	ssub.s32 @!p0 $0x0, s1;
	[sflag:s0] =	ssyncset.done @!p0 $0x0  }
0x5d: {  	[sflag:s0] =	ssyncadd.s32 @!p0 s1  }
0x5e: {  	[bflag:$0x3] =	sbarrier.arrive $0xFFFF  }
0x5f: {  	_ =	shalt  }

</sc_bundles>
